<compile_context>
chip_gen: v7x
topology: tpu7x:2x2x1
jax: 0.10.2.dev20260603
libtpu: 0.0.44.dev20260713+nightly
codegen_flags: <defaults>
</compile_context>

<pallas_src>
import functools

import jax
import jax.numpy as jnp
from jax import lax
from jax.experimental import pallas as pl
from jax.experimental.pallas import tpu as pltpu
from jax.experimental.pallas import tpu_sc as plsc

CIN = 96
COUT = 96
KT = 4
H = W = 384
P = H * W
N = KT * P
OH, OW = 2 * H, 2 * W
NPIX = OH * OW
CP = 128

RPX = 8 * W
GI = P // RPX
FROWS = N // 128

NTILES = 16
CHUNK = N // NTILES
CROWS = CHUNK // 128
SLAB = 12288
NSLAB = (NPIX + SLAB - 1) // SLAB
TAIL = NPIX - (NSLAB - 1) * SLAB
ACC_ROWS = SLAB + 16
STRIPE = SLAB // NTILES
TAIL_STRIPE = TAIL // NTILES
GB = 64
SLABS_PER_CORE = (NSLAB + 1) // 2
WSZ = 2048
WROWS = WSZ // 128
NWIN = CHUNK // WSZ
MBUF = WSZ + 2 * GB


def _tc_body(x_ref, w_ref, sm_ref, contrib_ref, flat_ref):
    wb = w_ref[...]
    for r in range(8):
        xr = x_ref[0, :, r, :]
        res = lax.dot_general(xr, wb, (((0,), (0,)), ((), ())),
                              preferred_element_type=jnp.float32)
        contrib_ref[pl.ds(r * W, W), :] = res
    sm = sm_ref[0]
    fl = sm[:, 1] * OW + sm[:, 0]
    flat_ref[...] = fl.reshape(RPX // 128, 128)


def _tc_matmul(x, w2p, smk):
    return pl.pallas_call(
        _tc_body,
        grid=(GI, KT),
        in_specs=[
            pl.BlockSpec((1, CIN, 8, W), lambda i, k: (0, 0, i, 0)),
            pl.BlockSpec((CIN, CP), lambda i, k: (0, k)),
            pl.BlockSpec((1, RPX, 2), lambda i, k: (k, i, 0)),
        ],
        out_specs=[
            pl.BlockSpec((RPX, CP), lambda i, k: (k * GI + i, 0)),
            pl.BlockSpec((RPX // 128, 128), lambda i, k: (k * GI + i, 0)),
        ],
        out_shape=[
            jax.ShapeDtypeStruct((N, CP), jnp.float32),
            jax.ShapeDtypeStruct((FROWS, 128), jnp.int32),
        ],
    )(x, w2p, smk)


def _tr_body(in_ref, out_ref):
    for r in range(8):
        blk = in_ref[pl.ds(r * OW, OW), :]
        t = jnp.transpose(blk, (1, 0))
        out_ref[:, r, :] = t[0:COUT, :]


def _transpose_out(out_scat):
    return pl.pallas_call(
        _tr_body,
        grid=(OH // 8,),
        in_specs=[pl.BlockSpec((8 * OW, CP), lambda i: (i, 0))],
        out_specs=pl.BlockSpec((COUT, 8, OW), lambda i: (0, i, 0)),
        out_shape=jax.ShapeDtypeStruct((COUT, OH, OW), jnp.float32),
    )(out_scat)


_MESH = plsc.VectorSubcoreMesh(core_axis_name="c", subcore_axis_name="s")


@functools.partial(
    pl.kernel,
    out_type=jax.ShapeDtypeStruct((NPIX, CP), jnp.float32),
    mesh=_MESH,
    scratch_types=[
        pltpu.VMEM_SHARED((ACC_ROWS, CP), jnp.float32),
    ],
    compiler_params=pltpu.CompilerParams(needs_layout_passes=False),
)
def _sc_scatter(contrib_hbm, flat_hbm, bias_hbm, out_hbm, accum):
    pl.run_scoped(
        functools.partial(_sc_body, contrib_hbm, flat_hbm, bias_hbm,
                          out_hbm, accum),
        pltpu.VMEM((2, WROWS, 128), jnp.int32),
        pltpu.VMEM((MBUF,), jnp.int32),
        pltpu.VMEM((MBUF,), jnp.int32),
        pltpu.VMEM((2, GB), jnp.int32),
        pltpu.VMEM((2, GB), jnp.int32),
        pltpu.VMEM((2, GB, CP), jnp.float32),
        pltpu.VMEM((32, CP), jnp.float32),
        pltpu.SemaphoreType.DMA,
        pltpu.SemaphoreType.DMA,
    )


def _sc_body(contrib_hbm, flat_hbm, bias_hbm, out_hbm, accum,
             flat_win, dst_buf, src_buf, dst_batch, src_batch,
             staging, bias_v, sem, sem_f):
    c = lax.axis_index("c")
    s = lax.axis_index("s")
    iota16 = lax.iota(jnp.int32, 16)
    pltpu.sync_copy(bias_hbm, bias_v)

    def drain_prev(nfired):
        prev = lax.rem(nfired + 1, 2)

        @pl.when(nfired >= 1)
        def _():
            pltpu.make_async_copy(contrib_hbm.at[src_batch.at[prev]],
                                  staging.at[prev], sem).wait()
            pltpu.sync_copy(staging.at[prev], accum.at[dst_batch.at[prev]],
                            add=True)

    def flush_one(j, nfired):
        drain_prev(nfired)
        par = lax.rem(nfired, 2)
        base = j * GB
        for u in range(GB // 16):
            dst_batch[par, pl.ds(u * 16, 16)] = dst_buf[pl.ds(base + u * 16, 16)]
            src_batch[par, pl.ds(u * 16, 16)] = src_buf[pl.ds(base + u * 16, 16)]
        pltpu.async_copy(contrib_hbm.at[src_batch.at[par]], staging.at[par], sem)
        return nfired + 1

    def slab_body(t, carry):
        slab_id = 2 * t + c

        @pl.when(slab_id < NSLAB)
        def _():
            lo = slab_id * SLAB
            is_tail = slab_id == NSLAB - 1
            not_tail = slab_id != NSLAB - 1

            def init_fire(p, carry):
                pltpu.async_copy(
                    bias_v, accum.at[pl.ds(s * STRIPE + p * 32, 32)], sem_f)
                return carry

            def init_drain(p, carry):
                pltpu.make_async_copy(
                    bias_v, accum.at[pl.ds(s * STRIPE + p * 32, 32)],
                    sem_f).wait()
                return carry

            lax.fori_loop(0, STRIPE // 32, init_fire, 0)
            lax.fori_loop(0, STRIPE // 32, init_drain, 0)

            plsc.subcore_barrier()

            pltpu.async_copy(
                flat_hbm.at[pl.ds(s * CROWS, WROWS)], flat_win.at[0], sem_f)

            def win_body(w, carry2):
                cnt, nfired = carry2
                par = lax.rem(w, 2)
                pltpu.make_async_copy(
                    flat_hbm.at[pl.ds(s * CROWS + w * WROWS, WROWS)],
                    flat_win.at[par], sem_f).wait()

                @pl.when(w < NWIN - 1)
                def _():
                    pltpu.async_copy(
                        flat_hbm.at[pl.ds(s * CROWS + (w + 1) * WROWS, WROWS)],
                        flat_win.at[1 - par], sem_f)

                src_base = s * CHUNK + w * WSZ

                def scan_body(i, carry3):
                    cnt2, src_v = carry3
                    vA = flat_win[par, i // 4, pl.ds((i % 4) * 32, 16)]
                    vB = flat_win[par, i // 4, pl.ds((i % 4) * 32 + 16, 16)]
                    offA = vA - lo
                    offB = vB - lo
                    mA = plsc.bitcast(offA, jnp.uint32) < jnp.uint32(SLAB)
                    mB = plsc.bitcast(offB, jnp.uint32) < jnp.uint32(SLAB)
                    prefA = plsc.cumsum(mA.astype(jnp.int32))
                    prefB = plsc.cumsum(mB.astype(jnp.int32))
                    nA = prefA[15]
                    posA = cnt2 + prefA - 1
                    posB = (cnt2 + nA) + prefB - 1
                    plsc.store_scatter(dst_buf, [posA], offA, mask=mA)
                    plsc.store_scatter(src_buf, [posA], src_v, mask=mA)
                    plsc.store_scatter(dst_buf, [posB], offB, mask=mB)
                    plsc.store_scatter(src_buf, [posB], src_v + 16, mask=mB)
                    return (cnt2 + nA) + prefB[15], src_v + 32

                cnt, _ = lax.fori_loop(0, WSZ // 32, scan_body,
                                       (cnt, src_base + iota16))

                nfl = cnt // GB
                nfired = lax.fori_loop(0, nfl, flush_one, nfired)
                rem_base = nfl * GB
                for u in range(GB // 16):
                    flat_win[par, 0, pl.ds(u * 16, 16)] = dst_buf[pl.ds(rem_base + u * 16, 16)]
                    flat_win[par, 1, pl.ds(u * 16, 16)] = src_buf[pl.ds(rem_base + u * 16, 16)]
                for u in range(GB // 16):
                    dst_buf[pl.ds(u * 16, 16)] = flat_win[par, 0, pl.ds(u * 16, 16)]
                    src_buf[pl.ds(u * 16, 16)] = flat_win[par, 1, pl.ds(u * 16, 16)]
                return cnt - nfl * GB, nfired

            cnt, nfired = lax.fori_loop(0, NWIN, win_body,
                                        (jnp.int32(0), jnp.int32(0)))

            pad_dst = jnp.full((16,), SLAB, jnp.int32)
            pad_src = jnp.zeros((16,), jnp.int32)
            for u in range(GB // 16):
                dst_buf[pl.ds(cnt + u * 16, 16)] = pad_dst
                src_buf[pl.ds(cnt + u * 16, 16)] = pad_src
            nfired = lax.fori_loop(0, (cnt + (GB - 1)) // GB, flush_one, nfired)
            drain_prev(nfired)

            plsc.subcore_barrier()

            def wout_fire(p, carry):
                pltpu.async_copy(
                    accum.at[pl.ds(s * STRIPE + p * 64, 64)],
                    out_hbm.at[pl.ds(lo + s * STRIPE + p * 64, 64)], sem_f)
                return carry

            def wout_drain(p, carry):
                pltpu.make_async_copy(
                    accum.at[pl.ds(s * STRIPE + p * 64, 64)],
                    out_hbm.at[pl.ds(lo + s * STRIPE + p * 64, 64)],
                    sem_f).wait()
                return carry

            lax.fori_loop(0, STRIPE // 64, wout_fire, 0)
            lax.fori_loop(0, STRIPE // 64, wout_drain, 0)

            plsc.subcore_barrier()

        return carry

    lax.fori_loop(0, SLABS_PER_CORE, slab_body, 0)


def kernel(x, weight, bias, sample_map, oh, ow):
    wt = jnp.transpose(weight, (0, 2, 1))
    w2p = jnp.pad(wt, ((0, 0), (0, 0), (0, CP - COUT))).reshape(CIN, KT * CP)
    smk = sample_map.reshape(P, KT, 2).transpose(1, 0, 2)

    contrib, flat2d = _tc_matmul(x, w2p, smk)
    biasp = jnp.pad(bias, (0, CP - COUT))
    bias_tile = jnp.tile(biasp[None, :], (32, 1))

    out_scat = _sc_scatter(contrib, flat2d, bias_tile)
    out = _transpose_out(out_scat)
    return out[None]

# --- scband reference (transcript-rebuilt; emitter-appended) ---
"""Pipeline reference for scband-mapped-transposed-convolution-58463094833213 (READ-ONLY COPY).

The authoritative reference and input builder live on the scoring server;
editing this copy changes nothing except your own understanding.
"""

import jax, jax.numpy as jnp
import numpy as np
import math


def setup_inputs(seed: int = 0) -> dict:
    key = jax.random.key(seed)
    k1, k2, k3, k4 = jax.random.split(key, 4)
    B, Cin, Cout, K = 1, 96, 96, 4
    H = W = 384
    oh = ow = 768
    x = jax.random.normal(k1, (B, Cin, H, W), dtype=jnp.float32)
    n = Cin * K
    stdv = 1.0 / math.sqrt(n)
    weight = jax.random.uniform(k2, (Cin, Cout, K), minval=-stdv, maxval=stdv, dtype=jnp.float32)
    bias = jax.random.uniform(k3, (Cout,), minval=-stdv, maxval=stdv, dtype=jnp.float32)
    # sample_map maps each (input_pixel, kernel_tap) to an (x, y) location in the OUTPUT grid
    sample_map = jax.random.randint(k4, (H, W, K, 2), 0, ow, dtype=jnp.int32)
    return {"x": x, "weight": weight, "bias": bias, "sample_map": sample_map, "oh": oh, "ow": ow}


def reference(x, weight, bias, sample_map, oh, ow):
    # Mapped transposed convolution (nearest-neighbor interpolation):
    # each input pixel's feature vector is multiplied by the per-tap
    # weight matrix [Cin, Cout] and scatter-added to the output location
    # given by sample_map[i, j, k] = (x_coord, y_coord).
    B, Cin, H, W = x.shape
    Cout = weight.shape[1]
    K = weight.shape[2]
    oh_s = 2 * H
    ow_s = 2 * W
    # per-tap contributions: [B, Cout, K, H, W]
    contrib = jnp.einsum('bchw,cok->bokhw', x, weight)
    xs = sample_map[..., 0]  # [H, W, K]
    ys = sample_map[..., 1]  # [H, W, K]
    flat_idx = (ys * ow + xs)  # [H, W, K]
    flat_idx = jnp.transpose(flat_idx, (2, 0, 1)).reshape(-1)  # [K*H*W], matches contrib layout
    contrib_flat = contrib.reshape(B, Cout, K * H * W)
    out = jnp.zeros((B, Cout, oh_s * ow_s), dtype=x.dtype).at[:, :, flat_idx].add(contrib_flat)
    out = out.reshape(B, Cout, oh_s, ow_s) + bias[None, :, None, None]
    out = out + jnp.zeros((), dtype=x.dtype) * (oh - oh_s)
    return out

if __name__ == "__main__":
    import jax
    _d = setup_inputs()
    print(jax.jit(kernel)(*tuple(_d.values())))

</pallas_src>

<mosaic_0001>
#map = affine_map<(d0, d1) -> (0, 0)>
module attributes {stable_mosaic.version = 14 : i64} {
  func.func @_sc_scatter(%arg0: i32, %arg1: i32, %arg2: memref<589824x128xf32, #tpu.memory_space<hbm>>, %arg3: memref<4608x128xi32, #tpu.memory_space<hbm>>, %arg4: memref<32x128xf32, #tpu.memory_space<hbm>>, %arg5: memref<589824x128xf32, #tpu.memory_space<hbm>>, %arg6: memref<12304x128xf32, #tpu.memory_space<vmem_shared>>) attributes {dimension_semantics = [#tpu.dimension_semantics<core_parallel>, #tpu.dimension_semantics<subcore_parallel>], iteration_bounds = array<i64: 2, 16>, scalar_prefetch = 0 : i64, scratch_operands = 1 : i64, tpu.core_type = #tpu.core_type<sc_vector_subcore>, window_params = [{transform_indices = #map}, {transform_indices = #map}, {transform_indices = #map}, {transform_indices = #map}]} {
    "tpu.region"() ({
      %run_scoped3A = memref.alloca() : memref<2x16x128xi32, #tpu.memory_space<vmem>>
      %run_scoped3A_0 = memref.alloca() : memref<2176xi32, #tpu.memory_space<vmem>>
      %run_scoped3A_1 = memref.alloca() : memref<2176xi32, #tpu.memory_space<vmem>>
      %run_scoped3A_2 = memref.alloca() : memref<2x64xi32, #tpu.memory_space<vmem>>
      %run_scoped3A_3 = memref.alloca() : memref<2x64xi32, #tpu.memory_space<vmem>>
      %run_scoped3A_4 = memref.alloca() : memref<2x64x128xf32, #tpu.memory_space<vmem>>
      %run_scoped3A_5 = memref.alloca() : memref<32x128xf32, #tpu.memory_space<vmem>>
      %run_scoped3A_6 = tpu.sem_alloc : memref<!tpu.dma_semaphore, #tpu.memory_space<semaphore_mem>>
      %run_scoped3A_7 = tpu.sem_alloc : memref<!tpu.dma_semaphore, #tpu.memory_space<semaphore_mem>>
      %iota3A = tpu.iota {dimensions = array<i32: 0>} : vector<16xi32>
      "tpu.region"() ({
        %run_scoped3A_13 = tpu.sem_alloc : memref<!tpu.dma_semaphore, #tpu.memory_space<semaphore_mem>>
        tpu.enqueue_dma source(%arg4 : memref<32x128xf32, #tpu.memory_space<hbm>>) target(%run_scoped3A_5 : memref<32x128xf32, #tpu.memory_space<vmem>>) target_semaphore(%run_scoped3A_13 : memref<!tpu.dma_semaphore, #tpu.memory_space<semaphore_mem>>)
        tpu.wait_dma2 semaphore(%run_scoped3A_13 : memref<!tpu.dma_semaphore, #tpu.memory_space<semaphore_mem>>) src(%arg4 : memref<32x128xf32, #tpu.memory_space<hbm>>) dst(%run_scoped3A_5 : memref<32x128xf32, #tpu.memory_space<vmem>>)
        tpu.yield
      }) : () -> ()
      %scan3A = arith.constant 0 : i32
      %scan3A_8 = arith.constant 0 : i32
      %scan3A_9 = arith.constant 24 : i32
      %scan3A_10 = arith.addi %scan3A_8, %scan3A_9 : i32
      %scan3A_11 = arith.constant 1 : i32
      scf.for %scan3A_13 = %scan3A_8 to %scan3A_10 step %scan3A_11  : i32 {
        %mul3A = arith.constant 2 : i32
        %mul3A_14 = arith.muli %mul3A, %scan3A_13 : i32
        %add3A = arith.addi %mul3A_14, %arg0 : i32
        %lt3A = arith.constant 48 : i32
        %lt3A_15 = arith.cmpi slt, %add3A, %lt3A : i32
        %convert_element_type3A = arith.extui %lt3A_15 : i1 to i32
        %cond3A = arith.constant 0 : i32
        %cond3A_16 = arith.cmpi ne, %convert_element_type3A, %cond3A : i32
        scf.if %cond3A_16 {
          %mul3A_17 = arith.constant 12288 : i32
          %mul3A_18 = arith.muli %add3A, %mul3A_17 : i32
          %eq3A = arith.constant 47 : i32
          %eq3A_19 = arith.cmpi eq, %add3A, %eq3A : i32
          %ne3A = arith.constant 47 : i32
          %ne3A_20 = arith.cmpi ne, %add3A, %ne3A : i32
          %scan3A_21 = arith.constant 0 : i32
          %scan3A_22 = arith.constant 0 : i32
          %scan3A_23 = arith.constant 24 : i32
          %scan3A_24 = arith.addi %scan3A_22, %scan3A_23 : i32
          %scan3A_25 = arith.constant 1 : i32
          scf.for %scan3A_140 = %scan3A_22 to %scan3A_24 step %scan3A_25  : i32 {
            %mul3A_141 = arith.constant 768 : i32
            %mul3A_142 = arith.muli %arg1, %mul3A_141 : i32
            %mul3A_143 = arith.constant 32 : i32
            %mul3A_144 = arith.muli %scan3A_140, %mul3A_143 : i32
            %add3A_145 = arith.addi %mul3A_142, %mul3A_144 : i32
            %dma_start3A_146 = arith.constant 0 : i32
            %dma_start3A_147 = tpu.memref_slice %arg6[%add3A_145, %dma_start3A_146] : memref<12304x128xf32, #tpu.memory_space<vmem_shared>> -> memref<32x128xf32, #tpu.memory_space<vmem_shared>>
            %dma_start3A_148 = arith.constant 0 : i32
            %dma_start3A_149 = tpu.memref_slice %arg6[%add3A_145, %dma_start3A_148] : memref<12304x128xf32, #tpu.memory_space<vmem_shared>> -> memref<32x128xf32, #tpu.memory_space<vmem_shared>>
            tpu.enqueue_dma source(%run_scoped3A_5 : memref<32x128xf32, #tpu.memory_space<vmem>>) target(%dma_start3A_149 : memref<32x128xf32, #tpu.memory_space<vmem_shared>>) target_semaphore(%run_scoped3A_7 : memref<!tpu.dma_semaphore, #tpu.memory_space<semaphore_mem>>)
          }
          %scan3A_26 = arith.constant 24 : i32
          %scan3A_27 = arith.constant 0 : i32
          %scan3A_28 = arith.constant 0 : i32
          %scan3A_29 = arith.constant 24 : i32
          %scan3A_30 = arith.addi %scan3A_28, %scan3A_29 : i32
          %scan3A_31 = arith.constant 1 : i32
          scf.for %scan3A_140 = %scan3A_28 to %scan3A_30 step %scan3A_31  : i32 {
            %mul3A_141 = arith.constant 768 : i32
            %mul3A_142 = arith.muli %arg1, %mul3A_141 : i32
            %mul3A_143 = arith.constant 32 : i32
            %mul3A_144 = arith.muli %scan3A_140, %mul3A_143 : i32
            %add3A_145 = arith.addi %mul3A_142, %mul3A_144 : i32
            %dma_wait3A = arith.constant 0 : i32
            %dma_wait3A_146 = tpu.memref_slice %arg6[%add3A_145, %dma_wait3A] : memref<12304x128xf32, #tpu.memory_space<vmem_shared>> -> memref<32x128xf32, #tpu.memory_space<vmem_shared>>
            %dma_wait3A_147 = arith.constant 0 : i32
            %dma_wait3A_148 = tpu.memref_slice %arg6[%add3A_145, %dma_wait3A_147] : memref<12304x128xf32, #tpu.memory_space<vmem_shared>> -> memref<32x128xf32, #tpu.memory_space<vmem_shared>>
            tpu.wait_dma2 semaphore(%run_scoped3A_7 : memref<!tpu.dma_semaphore, #tpu.memory_space<semaphore_mem>>) src(%run_scoped3A_5 : memref<32x128xf32, #tpu.memory_space<vmem>>) dst(%dma_wait3A_148 : memref<32x128xf32, #tpu.memory_space<vmem_shared>>)
          }
          %scan3A_32 = arith.constant 24 : i32
          %barrier3A = arith.constant 0 : index
          tpu.barrier barrier_id(%barrier3A)
          %mul3A_33 = arith.constant 288 : i32
          %mul3A_34 = arith.muli %arg1, %mul3A_33 : i32
          %dma_start3A = arith.constant 0 : i32
          %dma_start3A_35 = arith.constant 0 : i32
          %dma_start3A_36 = arith.constant 0 : i32
          %dma_start3A_37 = tpu.memref_slice %run_scoped3A[%dma_start3A, %dma_start3A_35, %dma_start3A_36] : memref<2x16x128xi32, #tpu.memory_space<vmem>> -> memref<1x16x128xi32, #tpu.memory_space<vmem>>
          %dma_start3A_38 = tpu.memref_squeeze %dma_start3A_37 : memref<1x16x128xi32, #tpu.memory_space<vmem>> -> memref<16x128xi32, #tpu.memory_space<vmem>>
          %dma_start3A_39 = arith.constant 0 : i32
          %dma_start3A_40 = tpu.memref_slice %arg3[%mul3A_34, %dma_start3A_39] : memref<4608x128xi32, #tpu.memory_space<hbm>> -> memref<16x128xi32, #tpu.memory_space<hbm>>
          %dma_start3A_41 = arith.constant 0 : i32
          %dma_start3A_42 = arith.constant 0 : i32
          %dma_start3A_43 = tpu.memref_slice %run_scoped3A[%dma_start3A, %dma_start3A_41, %dma_start3A_42] : memref<2x16x128xi32, #tpu.memory_space<vmem>> -> memref<1x16x128xi32, #tpu.memory_space<vmem>>
          %dma_start3A_44 = tpu.memref_squeeze %dma_start3A_43 : memref<1x16x128xi32, #tpu.memory_space<vmem>> -> memref<16x128xi32, #tpu.memory_space<vmem>>
          %dma_start3A_45 = arith.constant 0 : i32
          %dma_start3A_46 = tpu.memref_slice %arg3[%mul3A_34, %dma_start3A_45] : memref<4608x128xi32, #tpu.memory_space<hbm>> -> memref<16x128xi32, #tpu.memory_space<hbm>>
          tpu.enqueue_dma source(%dma_start3A_46 : memref<16x128xi32, #tpu.memory_space<hbm>>) target(%dma_start3A_44 : memref<16x128xi32, #tpu.memory_space<vmem>>) target_semaphore(%run_scoped3A_7 : memref<!tpu.dma_semaphore, #tpu.memory_space<semaphore_mem>>)
          %scan3A_47 = arith.constant 0 : i32
          %scan3A_48 = arith.constant 0 : i32
          %scan3A_49 = arith.constant 0 : i32
          %scan3A_50 = arith.constant 18 : i32
          %scan3A_51 = arith.addi %scan3A_49, %scan3A_50 : i32
          %scan3A_52 = arith.constant 1 : i32
          %scan3A_53:2 = scf.for %scan3A_140 = %scan3A_49 to %scan3A_51 step %scan3A_52 iter_args(%scan3A_141 = %scan3A_47, %scan3A_142 = %scan3A_48) -> (i32, i32)  : i32 {
            %rem3A_143 = arith.constant 2 : i32
            %rem3A_144 = arith.remsi %scan3A_140, %rem3A_143 : i32
            %mul3A_145 = arith.constant 288 : i32
            %mul3A_146 = arith.muli %arg1, %mul3A_145 : i32
            %mul3A_147 = arith.constant 16 : i32
            %mul3A_148 = arith.muli %scan3A_140, %mul3A_147 : i32
            %add3A_149 = arith.addi %mul3A_146, %mul3A_148 : i32
            %dma_wait3A = arith.constant 0 : i32
            %dma_wait3A_150 = arith.constant 0 : i32
            %dma_wait3A_151 = tpu.memref_slice %run_scoped3A[%rem3A_144, %dma_wait3A, %dma_wait3A_150] : memref<2x16x128xi32, #tpu.memory_space<vmem>> -> memref<1x16x128xi32, #tpu.memory_space<vmem>>
            %dma_wait3A_152 = tpu.memref_squeeze %dma_wait3A_151 : memref<1x16x128xi32, #tpu.memory_space<vmem>> -> memref<16x128xi32, #tpu.memory_space<vmem>>
            %dma_wait3A_153 = arith.constant 0 : i32
            %dma_wait3A_154 = tpu.memref_slice %arg3[%add3A_149, %dma_wait3A_153] : memref<4608x128xi32, #tpu.memory_space<hbm>> -> memref<16x128xi32, #tpu.memory_space<hbm>>
            %dma_wait3A_155 = arith.constant 0 : i32
            %dma_wait3A_156 = arith.constant 0 : i32
            %dma_wait3A_157 = tpu.memref_slice %run_scoped3A[%rem3A_144, %dma_wait3A_155, %dma_wait3A_156] : memref<2x16x128xi32, #tpu.memory_space<vmem>> -> memref<1x16x128xi32, #tpu.memory_space<vmem>>
            %dma_wait3A_158 = tpu.memref_squeeze %dma_wait3A_157 : memref<1x16x128xi32, #tpu.memory_space<vmem>> -> memref<16x128xi32, #tpu.memory_space<vmem>>
            %dma_wait3A_159 = arith.constant 0 : i32
            %dma_wait3A_160 = tpu.memref_slice %arg3[%add3A_149, %dma_wait3A_159] : memref<4608x128xi32, #tpu.memory_space<hbm>> -> memref<16x128xi32, #tpu.memory_space<hbm>>
            tpu.wait_dma2 semaphore(%run_scoped3A_7 : memref<!tpu.dma_semaphore, #tpu.memory_space<semaphore_mem>>) src(%dma_wait3A_160 : memref<16x128xi32, #tpu.memory_space<hbm>>) dst(%dma_wait3A_158 : memref<16x128xi32, #tpu.memory_space<vmem>>)
            %lt3A_161 = arith.constant 17 : i32
            %lt3A_162 = arith.cmpi slt, %scan3A_140, %lt3A_161 : i32
            %convert_element_type3A_163 = arith.extui %lt3A_162 : i1 to i32
            %cond3A_164 = arith.constant 0 : i32
            %cond3A_165 = arith.cmpi ne, %convert_element_type3A_163, %cond3A_164 : i32
            scf.if %cond3A_165 {
              %mul3A_346 = arith.constant 288 : i32
              %mul3A_347 = arith.muli %arg1, %mul3A_346 : i32
              %add3A_348 = arith.constant 1 : i32
              %add3A_349 = arith.addi %scan3A_140, %add3A_348 : i32
              %mul3A_350 = arith.constant 16 : i32
              %mul3A_351 = arith.muli %add3A_349, %mul3A_350 : i32
              %add3A_352 = arith.addi %mul3A_347, %mul3A_351 : i32
              %sub3A_353 = arith.constant 1 : i32
              %sub3A_354 = arith.subi %sub3A_353, %rem3A_144 : i32
              %dma_start3A_355 = arith.constant 0 : i32
              %dma_start3A_356 = arith.constant 0 : i32
              %dma_start3A_357 = tpu.memref_slice %run_scoped3A[%sub3A_354, %dma_start3A_355, %dma_start3A_356] : memref<2x16x128xi32, #tpu.memory_space<vmem>> -> memref<1x16x128xi32, #tpu.memory_space<vmem>>
              %dma_start3A_358 = tpu.memref_squeeze %dma_start3A_357 : memref<1x16x128xi32, #tpu.memory_space<vmem>> -> memref<16x128xi32, #tpu.memory_space<vmem>>
              %dma_start3A_359 = arith.constant 0 : i32
              %dma_start3A_360 = tpu.memref_slice %arg3[%add3A_352, %dma_start3A_359] : memref<4608x128xi32, #tpu.memory_space<hbm>> -> memref<16x128xi32, #tpu.memory_space<hbm>>
              %dma_start3A_361 = arith.constant 0 : i32
              %dma_start3A_362 = arith.constant 0 : i32
              %dma_start3A_363 = tpu.memref_slice %run_scoped3A[%sub3A_354, %dma_start3A_361, %dma_start3A_362] : memref<2x16x128xi32, #tpu.memory_space<vmem>> -> memref<1x16x128xi32, #tpu.memory_space<vmem>>
              %dma_start3A_364 = tpu.memref_squeeze %dma_start3A_363 : memref<1x16x128xi32, #tpu.memory_space<vmem>> -> memref<16x128xi32, #tpu.memory_space<vmem>>
              %dma_start3A_365 = arith.constant 0 : i32
              %dma_start3A_366 = tpu.memref_slice %arg3[%add3A_352, %dma_start3A_365] : memref<4608x128xi32, #tpu.memory_space<hbm>> -> memref<16x128xi32, #tpu.memory_space<hbm>>
              tpu.enqueue_dma source(%dma_start3A_366 : memref<16x128xi32, #tpu.memory_space<hbm>>) target(%dma_start3A_364 : memref<16x128xi32, #tpu.memory_space<vmem>>) target_semaphore(%run_scoped3A_7 : memref<!tpu.dma_semaphore, #tpu.memory_space<semaphore_mem>>)
            } else {
            }
            %mul3A_166 = arith.constant 36864 : i32
            %mul3A_167 = arith.muli %arg1, %mul3A_166 : i32
            %mul3A_168 = arith.constant 2048 : i32
            %mul3A_169 = arith.muli %scan3A_140, %mul3A_168 : i32
            %add3A_170 = arith.addi %mul3A_167, %mul3A_169 : i32
            %add3A_171 = vector.broadcast %add3A_170 : i32 to vector<16xi32>
            %add3A_172 = arith.addi %add3A_171, %iota3A : vector<16xi32>
            %scan3A_173 = arith.constant 0 : i32
            %scan3A_174 = arith.constant 64 : i32
            %scan3A_175 = arith.addi %scan3A_173, %scan3A_174 : i32
            %scan3A_176 = arith.constant 1 : i32
            %scan3A_177:2 = scf.for %scan3A_346 = %scan3A_173 to %scan3A_175 step %scan3A_176 iter_args(%scan3A_347 = %scan3A_141, %scan3A_348 = %add3A_172) -> (i32, vector<16xi32>)  : i32 {
              %jit3A_349 = arith.constant 4 : i32
              %div3A_350 = arith.divsi %scan3A_346, %jit3A_349 : i32
              %sign3A_351 = arith.constant 0 : i32
              %sign3A_352 = arith.cmpi sgt, %scan3A_346, %sign3A_351 : i32
              %sign3A_353 = arith.extui %sign3A_352 : i1 to i32
              %sign3A_354 = arith.constant 0 : i32
              %sign3A_355 = arith.cmpi slt, %scan3A_346, %sign3A_354 : i32
              %sign3A_356 = arith.extui %sign3A_355 : i1 to i32
              %sign3A_357 = arith.subi %sign3A_353, %sign3A_356 : i32
              %sign3A_358 = arith.constant 0 : i32
              %sign3A_359 = arith.cmpi sgt, %jit3A_349, %sign3A_358 : i32
              %sign3A_360 = arith.extui %sign3A_359 : i1 to i32
              %sign3A_361 = arith.constant 0 : i32
              %sign3A_362 = arith.cmpi slt, %jit3A_349, %sign3A_361 : i32
              %sign3A_363 = arith.extui %sign3A_362 : i1 to i32
              %sign3A_364 = arith.subi %sign3A_360, %sign3A_363 : i32
              %ne3A_365 = arith.cmpi ne, %sign3A_357, %sign3A_364 : i32
              %rem3A_366 = arith.remsi %scan3A_346, %jit3A_349 : i32
              %ne3A_367 = arith.constant 0 : i32
              %ne3A_368 = arith.cmpi ne, %rem3A_366, %ne3A_367 : i32
              %and3A_369 = arith.andi %ne3A_365, %ne3A_368 : i1
              %sub3A_370 = arith.constant 1 : i32
              %sub3A_371 = arith.subi %div3A_350, %sub3A_370 : i32
              %select_n3A_372 = arith.select %and3A_369, %sub3A_371, %div3A_350 : i32
              %jit3A_373 = arith.constant 4 : i32
              %eq3A_374 = arith.constant 0 : i32
              %eq3A_375 = arith.cmpi eq, %jit3A_373, %eq3A_374 : i32
              %jit3A_376 = arith.constant 1 : i32
              %select_n3A_377 = arith.select %eq3A_375, %jit3A_376, %jit3A_373 : i32
              %rem3A_378 = arith.remsi %scan3A_346, %select_n3A_377 : i32
              %ne3A_379 = arith.constant 0 : i32
              %ne3A_380 = arith.cmpi ne, %rem3A_378, %ne3A_379 : i32
              %lt3A_381 = arith.constant 0 : i32
              %lt3A_382 = arith.cmpi slt, %rem3A_378, %lt3A_381 : i32
              %lt3A_383 = arith.constant 0 : i32
              %lt3A_384 = arith.cmpi slt, %select_n3A_377, %lt3A_383 : i32
              %ne3A_385 = arith.xori %lt3A_382, %lt3A_384 : i1
              %and3A_386 = arith.andi %ne3A_385, %ne3A_380 : i1
              %add3A_387 = arith.addi %rem3A_378, %select_n3A_377 : i32
              %select_n3A_388 = arith.select %and3A_386, %add3A_387, %rem3A_378 : i32
              %mul3A_389 = arith.constant 32 : i32
              %mul3A_390 = arith.muli %select_n3A_388, %mul3A_389 : i32
              %get3A_391 = arith.index_cast %rem3A_144 : i32 to index
              %get3A_392 = arith.index_cast %select_n3A_372 : i32 to index
              %get3A_393 = arith.index_cast %mul3A_390 : i32 to index
              %get3A_394 = tpu.vector_load %run_scoped3A[%get3A_391, %get3A_392, %get3A_393] {strides = array<i32>} : memref<2x16x128xi32, #tpu.memory_space<vmem>>, vector<16xi32>,
              %jit3A_395 = arith.constant 4 : i32
              %div3A_396 = arith.divsi %scan3A_346, %jit3A_395 : i32
              %sign3A_397 = arith.constant 0 : i32
              %sign3A_398 = arith.cmpi sgt, %scan3A_346, %sign3A_397 : i32
              %sign3A_399 = arith.extui %sign3A_398 : i1 to i32
              %sign3A_400 = arith.constant 0 : i32
              %sign3A_401 = arith.cmpi slt, %scan3A_346, %sign3A_400 : i32
              %sign3A_402 = arith.extui %sign3A_401 : i1 to i32
              %sign3A_403 = arith.subi %sign3A_399, %sign3A_402 : i32
              %sign3A_404 = arith.constant 0 : i32
              %sign3A_405 = arith.cmpi sgt, %jit3A_395, %sign3A_404 : i32
              %sign3A_406 = arith.extui %sign3A_405 : i1 to i32
              %sign3A_407 = arith.constant 0 : i32
              %sign3A_408 = arith.cmpi slt, %jit3A_395, %sign3A_407 : i32
              %sign3A_409 = arith.extui %sign3A_408 : i1 to i32
              %sign3A_410 = arith.subi %sign3A_406, %sign3A_409 : i32
              %ne3A_411 = arith.cmpi ne, %sign3A_403, %sign3A_410 : i32
              %rem3A_412 = arith.remsi %scan3A_346, %jit3A_395 : i32
              %ne3A_413 = arith.constant 0 : i32
              %ne3A_414 = arith.cmpi ne, %rem3A_412, %ne3A_413 : i32
              %and3A_415 = arith.andi %ne3A_411, %ne3A_414 : i1
              %sub3A_416 = arith.constant 1 : i32
              %sub3A_417 = arith.subi %div3A_396, %sub3A_416 : i32
              %select_n3A_418 = arith.select %and3A_415, %sub3A_417, %div3A_396 : i32
              %jit3A_419 = arith.constant 4 : i32
              %eq3A_420 = arith.constant 0 : i32
              %eq3A_421 = arith.cmpi eq, %jit3A_419, %eq3A_420 : i32
              %jit3A_422 = arith.constant 1 : i32
              %select_n3A_423 = arith.select %eq3A_421, %jit3A_422, %jit3A_419 : i32
              %rem3A_424 = arith.remsi %scan3A_346, %select_n3A_423 : i32
              %ne3A_425 = arith.constant 0 : i32
              %ne3A_426 = arith.cmpi ne, %rem3A_424, %ne3A_425 : i32
              %lt3A_427 = arith.constant 0 : i32
              %lt3A_428 = arith.cmpi slt, %rem3A_424, %lt3A_427 : i32
              %lt3A_429 = arith.constant 0 : i32
              %lt3A_430 = arith.cmpi slt, %select_n3A_423, %lt3A_429 : i32
              %ne3A_431 = arith.xori %lt3A_428, %lt3A_430 : i1
              %and3A_432 = arith.andi %ne3A_431, %ne3A_426 : i1
              %add3A_433 = arith.addi %rem3A_424, %select_n3A_423 : i32
              %select_n3A_434 = arith.select %and3A_432, %add3A_433, %rem3A_424 : i32
              %mul3A_435 = arith.constant 32 : i32
              %mul3A_436 = arith.muli %select_n3A_434, %mul3A_435 : i32
              %add3A_437 = arith.constant 16 : i32
              %add3A_438 = arith.addi %mul3A_436, %add3A_437 : i32
              %get3A_439 = arith.index_cast %rem3A_144 : i32 to index
              %get3A_440 = arith.index_cast %select_n3A_418 : i32 to index
              %get3A_441 = arith.index_cast %add3A_438 : i32 to index
              %get3A_442 = tpu.vector_load %run_scoped3A[%get3A_439, %get3A_440, %get3A_441] {strides = array<i32>} : memref<2x16x128xi32, #tpu.memory_space<vmem>>, vector<16xi32>,
              %sub3A_443 = vector.broadcast %mul3A_18 : i32 to vector<16xi32>
              %sub3A_444 = arith.subi %get3A_394, %sub3A_443 : vector<16xi32>
              %sub3A_445 = vector.broadcast %mul3A_18 : i32 to vector<16xi32>
              %sub3A_446 = arith.subi %get3A_442, %sub3A_445 : vector<16xi32>
              %bitcast3A = vector.bitcast %sub3A_444 : vector<16xi32> to vector<16xi32>
              %lt3A_447 = arith.constant 12288 : i32
              %lt3A_448 = vector.broadcast %lt3A_447 : i32 to vector<16xi32>
              %lt3A_449 = arith.cmpi ult, %bitcast3A, %lt3A_448 : vector<16xi32>
              %bitcast3A_450 = vector.bitcast %sub3A_446 : vector<16xi32> to vector<16xi32>
              %lt3A_451 = arith.constant 12288 : i32
              %lt3A_452 = vector.broadcast %lt3A_451 : i32 to vector<16xi32>
              %lt3A_453 = arith.cmpi ult, %bitcast3A_450, %lt3A_452 : vector<16xi32>
              %convert_element_type3A_454 = arith.extui %lt3A_449 : vector<16xi1> to vector<16xi32>
              %broadcast_in_dim3A_455 = arith.constant true
              %broadcast_in_dim3A_456 = vector.broadcast %broadcast_in_dim3A_455 : i1 to vector<16xi1>
              %masked_cumsum3A = tpu.scan <sum>, %convert_element_type3A_454 masked %broadcast_in_dim3A_456 : vector<16xi32>, vector<16xi1> -> vector<16xi32>
              %convert_element_type3A_457 = arith.extui %lt3A_453 : vector<16xi1> to vector<16xi32>
              %broadcast_in_dim3A_458 = arith.constant true
              %broadcast_in_dim3A_459 = vector.broadcast %broadcast_in_dim3A_458 : i1 to vector<16xi1>
              %masked_cumsum3A_460 = tpu.scan <sum>, %convert_element_type3A_457 masked %broadcast_in_dim3A_459 : vector<16xi32>, vector<16xi1> -> vector<16xi32>
              %slice3A = vector.extract_strided_slice %masked_cumsum3A {offsets = [15], sizes = [1], strides = [1]} : vector<16xi32> to vector<1xi32>
              %squeeze3A = vector.extract %slice3A[0] : i32 from vector<1xi32>
              %add3A_461 = vector.broadcast %scan3A_347 : i32 to vector<16xi32>
              %add3A_462 = arith.addi %add3A_461, %masked_cumsum3A : vector<16xi32>
              %sub3A_463 = arith.constant 1 : i32
              %sub3A_464 = vector.broadcast %sub3A_463 : i32 to vector<16xi32>
              %sub3A_465 = arith.subi %add3A_462, %sub3A_464 : vector<16xi32>
              %add3A_466 = arith.addi %scan3A_347, %squeeze3A : i32
              %add3A_467 = vector.broadcast %add3A_466 : i32 to vector<16xi32>
              %add3A_468 = arith.addi %add3A_467, %masked_cumsum3A_460 : vector<16xi32>
              %sub3A_469 = arith.constant 1 : i32
              %sub3A_470 = vector.broadcast %sub3A_469 : i32 to vector<16xi32>
              %sub3A_471 = arith.subi %add3A_468, %sub3A_470 : vector<16xi32>
              tpu.vector_store_idx %run_scoped3A_0[%sub3A_465], %sub3A_444 masked %lt3A_449 : memref<2176xi32, #tpu.memory_space<vmem>>[vector<16xi32>], vector<16xi32>, vector<16xi1>
              tpu.vector_store_idx %run_scoped3A_1[%sub3A_465], %scan3A_348 masked %lt3A_449 : memref<2176xi32, #tpu.memory_space<vmem>>[vector<16xi32>], vector<16xi32>, vector<16xi1>
              tpu.vector_store_idx %run_scoped3A_0[%sub3A_471], %sub3A_446 masked %lt3A_453 : memref<2176xi32, #tpu.memory_space<vmem>>[vector<16xi32>], vector<16xi32>, vector<16xi1>
              %add3A_472 = arith.constant 16 : i32
              %add3A_473 = vector.broadcast %add3A_472 : i32 to vector<16xi32>
              %add3A_474 = arith.addi %scan3A_348, %add3A_473 : vector<16xi32>
              tpu.vector_store_idx %run_scoped3A_1[%sub3A_471], %add3A_474 masked %lt3A_453 : memref<2176xi32, #tpu.memory_space<vmem>>[vector<16xi32>], vector<16xi32>, vector<16xi1>
              %add3A_475 = arith.addi %scan3A_347, %squeeze3A : i32
              %slice3A_476 = vector.extract_strided_slice %masked_cumsum3A_460 {offsets = [15], sizes = [1], strides = [1]} : vector<16xi32> to vector<1xi32>
              %squeeze3A_477 = vector.extract %slice3A_476[0] : i32 from vector<1xi32>
              %add3A_478 = arith.addi %add3A_475, %squeeze3A_477 : i32
              %add3A_479 = arith.constant 32 : i32
              %add3A_480 = vector.broadcast %add3A_479 : i32 to vector<16xi32>
              %add3A_481 = arith.addi %scan3A_348, %add3A_480 : vector<16xi32>
              scf.yield %add3A_478, %add3A_481 : i32, vector<16xi32>
            }
            %scan3A_178 = arith.constant 64 : i32
            %jit3A_179 = arith.constant 64 : i32
            %div3A_180 = arith.divsi %scan3A_177#0, %jit3A_179 : i32
            %sign3A_181 = arith.constant 0 : i32
            %sign3A_182 = arith.cmpi sgt, %scan3A_177#0, %sign3A_181 : i32
            %sign3A_183 = arith.extui %sign3A_182 : i1 to i32
            %sign3A_184 = arith.constant 0 : i32
            %sign3A_185 = arith.cmpi slt, %scan3A_177#0, %sign3A_184 : i32
            %sign3A_186 = arith.extui %sign3A_185 : i1 to i32
            %sign3A_187 = arith.subi %sign3A_183, %sign3A_186 : i32
            %sign3A_188 = arith.constant 0 : i32
            %sign3A_189 = arith.cmpi sgt, %jit3A_179, %sign3A_188 : i32
            %sign3A_190 = arith.extui %sign3A_189 : i1 to i32
            %sign3A_191 = arith.constant 0 : i32
            %sign3A_192 = arith.cmpi slt, %jit3A_179, %sign3A_191 : i32
            %sign3A_193 = arith.extui %sign3A_192 : i1 to i32
            %sign3A_194 = arith.subi %sign3A_190, %sign3A_193 : i32
            %ne3A_195 = arith.cmpi ne, %sign3A_187, %sign3A_194 : i32
            %rem3A_196 = arith.remsi %scan3A_177#0, %jit3A_179 : i32
            %ne3A_197 = arith.constant 0 : i32
            %ne3A_198 = arith.cmpi ne, %rem3A_196, %ne3A_197 : i32
            %and3A_199 = arith.andi %ne3A_195, %ne3A_198 : i1
            %sub3A_200 = arith.constant 1 : i32
            %sub3A_201 = arith.subi %div3A_180, %sub3A_200 : i32
            %select_n3A_202 = arith.select %and3A_199, %sub3A_201, %div3A_180 : i32
            %while3A_203 = arith.constant 0 : i32
            %while3A_204 = arith.subi %select_n3A_202, %while3A_203 : i32
            %while3A_205 = arith.addi %while3A_203, %while3A_204 : i32
            %while3A_206 = arith.constant 1 : i32
            %while3A_207 = arith.divsi %while3A_204, %while3A_206 : i32
            %while3A_208 = arith.muli %while3A_207, %while3A_206 : i32
            %while3A_209 = arith.addi %while3A_203, %while3A_208 : i32
            %while3A_210 = arith.constant 1 : i32
            %while3A_211 = scf.for %while3A_346 = %while3A_203 to %while3A_209 step %while3A_210 iter_args(%while3A_347 = %scan3A_142) -> (i32)  : i32 {
              %add3A_348 = arith.constant 1 : i32
              %add3A_349 = arith.addi %while3A_347, %add3A_348 : i32
              %rem3A_350 = arith.constant 2 : i32
              %rem3A_351 = arith.remsi %add3A_349, %rem3A_350 : i32
              %ge3A_352 = arith.constant 1 : i32
              %ge3A_353 = arith.cmpi sge, %while3A_347, %ge3A_352 : i32
              %convert_element_type3A_354 = arith.extui %ge3A_353 : i1 to i32
              %cond3A_355 = arith.constant 0 : i32
              %cond3A_356 = arith.cmpi ne, %convert_element_type3A_354, %cond3A_355 : i32
              scf.if %cond3A_356 {
                %dma_wait3A_429 = arith.constant 0 : i32
                %dma_wait3A_430 = arith.constant 0 : i32
                %dma_wait3A_431 = tpu.memref_slice %run_scoped3A_4[%rem3A_351, %dma_wait3A_429, %dma_wait3A_430] : memref<2x64x128xf32, #tpu.memory_space<vmem>> -> memref<1x64x128xf32, #tpu.memory_space<vmem>>
                %dma_wait3A_432 = tpu.memref_squeeze %dma_wait3A_431 : memref<1x64x128xf32, #tpu.memory_space<vmem>> -> memref<64x128xf32, #tpu.memory_space<vmem>>
                %dma_wait3A_433 = arith.constant 0 : i32
                %dma_wait3A_434 = tpu.memref_slice %run_scoped3A_3[%rem3A_351, %dma_wait3A_433] : memref<2x64xi32, #tpu.memory_space<vmem>> -> memref<1x64xi32, #tpu.memory_space<vmem>>
                %dma_wait3A_435 = tpu.memref_squeeze %dma_wait3A_434 : memref<1x64xi32, #tpu.memory_space<vmem>> -> memref<64xi32, #tpu.memory_space<vmem>>
                %dma_wait3A_436 = arith.constant 0 : i32
                %dma_wait3A_437 = arith.constant 0 : i32
                %dma_wait3A_438 = tpu.memref_slice %arg2[%dma_wait3A_436, %dma_wait3A_437] : memref<589824x128xf32, #tpu.memory_space<hbm>> -> memref<589824x128xf32, #tpu.memory_space<hbm>>
                tpu.wait_indirect_dma semaphore(%run_scoped3A_6 : memref<!tpu.dma_semaphore, #tpu.memory_space<semaphore_mem>>) src(%dma_wait3A_438 : memref<589824x128xf32, #tpu.memory_space<hbm>>) dst(%dma_wait3A_432 : memref<64x128xf32, #tpu.memory_space<vmem>>)
                "tpu.region"() ({
                  %run_scoped3A_439 = tpu.sem_alloc : memref<!tpu.dma_semaphore, #tpu.memory_space<semaphore_mem>>
                  %dma_start3A_440 = arith.constant 0 : i32
                  %dma_start3A_441 = arith.constant 0 : i32
                  %dma_start3A_442 = tpu.memref_slice %run_scoped3A_4[%rem3A_351, %dma_start3A_440, %dma_start3A_441] : memref<2x64x128xf32, #tpu.memory_space<vmem>> -> memref<1x64x128xf32, #tpu.memory_space<vmem>>
                  %dma_start3A_443 = tpu.memref_squeeze %dma_start3A_442 : memref<1x64x128xf32, #tpu.memory_space<vmem>> -> memref<64x128xf32, #tpu.memory_space<vmem>>
                  %dma_start3A_444 = arith.constant 0 : i32
                  %dma_start3A_445 = tpu.memref_slice %run_scoped3A_2[%rem3A_351, %dma_start3A_444] : memref<2x64xi32, #tpu.memory_space<vmem>> -> memref<1x64xi32, #tpu.memory_space<vmem>>
                  %dma_start3A_446 = tpu.memref_squeeze %dma_start3A_445 : memref<1x64xi32, #tpu.memory_space<vmem>> -> memref<64xi32, #tpu.memory_space<vmem>>
                  %dma_start3A_447 = arith.constant 0 : i32
                  %dma_start3A_448 = arith.constant 0 : i32
                  %dma_start3A_449 = tpu.memref_slice %arg6[%dma_start3A_447, %dma_start3A_448] : memref<12304x128xf32, #tpu.memory_space<vmem_shared>> -> memref<12304x128xf32, #tpu.memory_space<vmem_shared>>
                  tpu.enqueue_indirect_dma source(%dma_start3A_443 : memref<64x128xf32, #tpu.memory_space<vmem>>) target(%dma_start3A_449 : memref<12304x128xf32, #tpu.memory_space<vmem_shared>>) offsets(%dma_start3A_446 : memref<64xi32, #tpu.memory_space<vmem>>) semaphore(%run_scoped3A_439 : memref<!tpu.dma_semaphore, #tpu.memory_space<semaphore_mem>>) {add = true}
                  %dma_wait3A_450 = arith.constant 0 : i32
                  %dma_wait3A_451 = arith.constant 0 : i32
                  %dma_wait3A_452 = tpu.memref_slice %run_scoped3A_4[%rem3A_351, %dma_wait3A_450, %dma_wait3A_451] : memref<2x64x128xf32, #tpu.memory_space<vmem>> -> memref<1x64x128xf32, #tpu.memory_space<vmem>>
                  %dma_wait3A_453 = tpu.memref_squeeze %dma_wait3A_452 : memref<1x64x128xf32, #tpu.memory_space<vmem>> -> memref<64x128xf32, #tpu.memory_space<vmem>>
                  %dma_wait3A_454 = arith.constant 0 : i32
                  %dma_wait3A_455 = tpu.memref_slice %run_scoped3A_2[%rem3A_351, %dma_wait3A_454] : memref<2x64xi32, #tpu.memory_space<vmem>> -> memref<1x64xi32, #tpu.memory_space<vmem>>
                  %dma_wait3A_456 = tpu.memref_squeeze %dma_wait3A_455 : memref<1x64xi32, #tpu.memory_space<vmem>> -> memref<64xi32, #tpu.memory_space<vmem>>
                  %dma_wait3A_457 = arith.constant 0 : i32
                  %dma_wait3A_458 = arith.constant 0 : i32
                  %dma_wait3A_459 = tpu.memref_slice %arg6[%dma_wait3A_457, %dma_wait3A_458] : memref<12304x128xf32, #tpu.memory_space<vmem_shared>> -> memref<12304x128xf32, #tpu.memory_space<vmem_shared>>
                  tpu.wait_indirect_dma semaphore(%run_scoped3A_439 : memref<!tpu.dma_semaphore, #tpu.memory_space<semaphore_mem>>) src(%dma_wait3A_453 : memref<64x128xf32, #tpu.memory_space<vmem>>) dst(%dma_wait3A_459 : memref<12304x128xf32, #tpu.memory_space<vmem_shared>>)
                  tpu.yield
                }) : () -> ()
              } else {
              }
              %rem3A_357 = arith.constant 2 : i32
              %rem3A_358 = arith.remsi %while3A_347, %rem3A_357 : i32
              %mul3A_359 = arith.constant 64 : i32
              %mul3A_360 = arith.muli %while3A_346, %mul3A_359 : i32
              %add3A_361 = arith.constant 0 : i32
              %add3A_362 = arith.addi %mul3A_360, %add3A_361 : i32
              %get3A_363 = arith.index_cast %add3A_362 : i32 to index
              %get3A_364 = tpu.vector_load %run_scoped3A_0[%get3A_363] {strides = array<i32>} : memref<2176xi32, #tpu.memory_space<vmem>>, vector<16xi32>,
              %swap3A_365 = arith.index_cast %rem3A_358 : i32 to index
              %swap3A_366 = arith.constant 0 : index
              %swap3A_367 = tpu.vector_load %run_scoped3A_2[%swap3A_365, %swap3A_366] {strides = array<i32>} : memref<2x64xi32, #tpu.memory_space<vmem>>, vector<16xi32>,
              tpu.vector_store %run_scoped3A_2[%swap3A_365, %swap3A_366], %get3A_364 {strides = array<i32>} : memref<2x64xi32, #tpu.memory_space<vmem>>, vector<16xi32>,
              %add3A_368 = arith.constant 0 : i32
              %add3A_369 = arith.addi %mul3A_360, %add3A_368 : i32
              %get3A_370 = arith.index_cast %add3A_369 : i32 to index
              %get3A_371 = tpu.vector_load %run_scoped3A_1[%get3A_370] {strides = array<i32>} : memref<2176xi32, #tpu.memory_space<vmem>>, vector<16xi32>,
              %swap3A_372 = arith.index_cast %rem3A_358 : i32 to index
              %swap3A_373 = arith.constant 0 : index
              %swap3A_374 = tpu.vector_load %run_scoped3A_3[%swap3A_372, %swap3A_373] {strides = array<i32>} : memref<2x64xi32, #tpu.memory_space<vmem>>, vector<16xi32>,
              tpu.vector_store %run_scoped3A_3[%swap3A_372, %swap3A_373], %get3A_371 {strides = array<i32>} : memref<2x64xi32, #tpu.memory_space<vmem>>, vector<16xi32>,
              %add3A_375 = arith.constant 16 : i32
              %add3A_376 = arith.addi %mul3A_360, %add3A_375 : i32
              %get3A_377 = arith.index_cast %add3A_376 : i32 to index
              %get3A_378 = tpu.vector_load %run_scoped3A_0[%get3A_377] {strides = array<i32>} : memref<2176xi32, #tpu.memory_space<vmem>>, vector<16xi32>,
              %swap3A_379 = arith.index_cast %rem3A_358 : i32 to index
              %swap3A_380 = arith.constant 16 : index
              %swap3A_381 = tpu.vector_load %run_scoped3A_2[%swap3A_379, %swap3A_380] {strides = array<i32>} : memref<2x64xi32, #tpu.memory_space<vmem>>, vector<16xi32>,
              tpu.vector_store %run_scoped3A_2[%swap3A_379, %swap3A_380], %get3A_378 {strides = array<i32>} : memref<2x64xi32, #tpu.memory_space<vmem>>, vector<16xi32>,
              %add3A_382 = arith.constant 16 : i32
              %add3A_383 = arith.addi %mul3A_360, %add3A_382 : i32
              %get3A_384 = arith.index_cast %add3A_383 : i32 to index
              %get3A_385 = tpu.vector_load %run_scoped3A_1[%get3A_384] {strides = array<i32>} : memref<2176xi32, #tpu.memory_space<vmem>>, vector<16xi32>,
              %swap3A_386 = arith.index_cast %rem3A_358 : i32 to index
              %swap3A_387 = arith.constant 16 : index
              %swap3A_388 = tpu.vector_load %run_scoped3A_3[%swap3A_386, %swap3A_387] {strides = array<i32>} : memref<2x64xi32, #tpu.memory_space<vmem>>, vector<16xi32>,
              tpu.vector_store %run_scoped3A_3[%swap3A_386, %swap3A_387], %get3A_385 {strides = array<i32>} : memref<2x64xi32, #tpu.memory_space<vmem>>, vector<16xi32>,
              %add3A_389 = arith.constant 32 : i32
              %add3A_390 = arith.addi %mul3A_360, %add3A_389 : i32
              %get3A_391 = arith.index_cast %add3A_390 : i32 to index
              %get3A_392 = tpu.vector_load %run_scoped3A_0[%get3A_391] {strides = array<i32>} : memref<2176xi32, #tpu.memory_space<vmem>>, vector<16xi32>,
              %swap3A_393 = arith.index_cast %rem3A_358 : i32 to index
              %swap3A_394 = arith.constant 32 : index
              %swap3A_395 = tpu.vector_load %run_scoped3A_2[%swap3A_393, %swap3A_394] {strides = array<i32>} : memref<2x64xi32, #tpu.memory_space<vmem>>, vector<16xi32>,
              tpu.vector_store %run_scoped3A_2[%swap3A_393, %swap3A_394], %get3A_392 {strides = array<i32>} : memref<2x64xi32, #tpu.memory_space<vmem>>, vector<16xi32>,
              %add3A_396 = arith.constant 32 : i32
              %add3A_397 = arith.addi %mul3A_360, %add3A_396 : i32
              %get3A_398 = arith.index_cast %add3A_397 : i32 to index
              %get3A_399 = tpu.vector_load %run_scoped3A_1[%get3A_398] {strides = array<i32>} : memref<2176xi32, #tpu.memory_space<vmem>>, vector<16xi32>,
              %swap3A_400 = arith.index_cast %rem3A_358 : i32 to index
              %swap3A_401 = arith.constant 32 : index
              %swap3A_402 = tpu.vector_load %run_scoped3A_3[%swap3A_400, %swap3A_401] {strides = array<i32>} : memref<2x64xi32, #tpu.memory_space<vmem>>, vector<16xi32>,
              tpu.vector_store %run_scoped3A_3[%swap3A_400, %swap3A_401], %get3A_399 {strides = array<i32>} : memref<2x64xi32, #tpu.memory_space<vmem>>, vector<16xi32>,
              %add3A_403 = arith.constant 48 : i32
              %add3A_404 = arith.addi %mul3A_360, %add3A_403 : i32
              %get3A_405 = arith.index_cast %add3A_404 : i32 to index
              %get3A_406 = tpu.vector_load %run_scoped3A_0[%get3A_405] {strides = array<i32>} : memref<2176xi32, #tpu.memory_space<vmem>>, vector<16xi32>,
              %swap3A_407 = arith.index_cast %rem3A_358 : i32 to index
              %swap3A_408 = arith.constant 48 : index
              %swap3A_409 = tpu.vector_load %run_scoped3A_2[%swap3A_407, %swap3A_408] {strides = array<i32>} : memref<2x64xi32, #tpu.memory_space<vmem>>, vector<16xi32>,
              tpu.vector_store %run_scoped3A_2[%swap3A_407, %swap3A_408], %get3A_406 {strides = array<i32>} : memref<2x64xi32, #tpu.memory_space<vmem>>, vector<16xi32>,
              %add3A_410 = arith.constant 48 : i32
              %add3A_411 = arith.addi %mul3A_360, %add3A_410 : i32
              %get3A_412 = arith.index_cast %add3A_411 : i32 to index
              %get3A_413 = tpu.vector_load %run_scoped3A_1[%get3A_412] {strides = array<i32>} : memref<2176xi32, #tpu.memory_space<vmem>>, vector<16xi32>,
              %swap3A_414 = arith.index_cast %rem3A_358 : i32 to index
              %swap3A_415 = arith.constant 48 : index
              %swap3A_416 = tpu.vector_load %run_scoped3A_3[%swap3A_414, %swap3A_415] {strides = array<i32>} : memref<2x64xi32, #tpu.memory_space<vmem>>, vector<16xi32>,
              tpu.vector_store %run_scoped3A_3[%swap3A_414, %swap3A_415], %get3A_413 {strides = array<i32>} : memref<2x64xi32, #tpu.memory_space<vmem>>, vector<16xi32>,
              %dma_start3A_417 = arith.constant 0 : i32
              %dma_start3A_418 = arith.constant 0 : i32
              %dma_start3A_419 = tpu.memref_slice %run_scoped3A_4[%rem3A_358, %dma_start3A_417, %dma_start3A_418] : memref<2x64x128xf32, #tpu.memory_space<vmem>> -> memref<1x64x128xf32, #tpu.memory_space<vmem>>
              %dma_start3A_420 = tpu.memref_squeeze %dma_start3A_419 : memref<1x64x128xf32, #tpu.memory_space<vmem>> -> memref<64x128xf32, #tpu.memory_space<vmem>>
              %dma_start3A_421 = arith.constant 0 : i32
              %dma_start3A_422 = tpu.memref_slice %run_scoped3A_3[%rem3A_358, %dma_start3A_421] : memref<2x64xi32, #tpu.memory_space<vmem>> -> memref<1x64xi32, #tpu.memory_space<vmem>>
              %dma_start3A_423 = tpu.memref_squeeze %dma_start3A_422 : memref<1x64xi32, #tpu.memory_space<vmem>> -> memref<64xi32, #tpu.memory_space<vmem>>
              %dma_start3A_424 = arith.constant 0 : i32
              %dma_start3A_425 = arith.constant 0 : i32
              %dma_start3A_426 = tpu.memref_slice %arg2[%dma_start3A_424, %dma_start3A_425] : memref<589824x128xf32, #tpu.memory_space<hbm>> -> memref<589824x128xf32, #tpu.memory_space<hbm>>
              tpu.enqueue_indirect_dma source(%dma_start3A_426 : memref<589824x128xf32, #tpu.memory_space<hbm>>) target(%dma_start3A_420 : memref<64x128xf32, #tpu.memory_space<vmem>>) offsets(%dma_start3A_423 : memref<64xi32, #tpu.memory_space<vmem>>) semaphore(%run_scoped3A_6 : memref<!tpu.dma_semaphore, #tpu.memory_space<semaphore_mem>>)
              %add3A_427 = arith.constant 1 : i32
              %add3A_428 = arith.addi %while3A_347, %add3A_427 : i32
              scf.yield %add3A_428 : i32
            }
            %while3A_212 = arith.constant 1 : i32
            %while3A_213 = scf.for %while3A_346 = %while3A_209 to %while3A_205 step %while3A_212 iter_args(%while3A_347 = %while3A_211) -> (i32)  : i32 {
              %add3A_348 = arith.constant 1 : i32
              %add3A_349 = arith.addi %while3A_347, %add3A_348 : i32
              %rem3A_350 = arith.constant 2 : i32
              %rem3A_351 = arith.remsi %add3A_349, %rem3A_350 : i32
              %ge3A_352 = arith.constant 1 : i32
              %ge3A_353 = arith.cmpi sge, %while3A_347, %ge3A_352 : i32
              %convert_element_type3A_354 = arith.extui %ge3A_353 : i1 to i32
              %cond3A_355 = arith.constant 0 : i32
              %cond3A_356 = arith.cmpi ne, %convert_element_type3A_354, %cond3A_355 : i32
              scf.if %cond3A_356 {
                %dma_wait3A_429 = arith.constant 0 : i32
                %dma_wait3A_430 = arith.constant 0 : i32
                %dma_wait3A_431 = tpu.memref_slice %run_scoped3A_4[%rem3A_351, %dma_wait3A_429, %dma_wait3A_430] : memref<2x64x128xf32, #tpu.memory_space<vmem>> -> memref<1x64x128xf32, #tpu.memory_space<vmem>>
                %dma_wait3A_432 = tpu.memref_squeeze %dma_wait3A_431 : memref<1x64x128xf32, #tpu.memory_space<vmem>> -> memref<64x128xf32, #tpu.memory_space<vmem>>
                %dma_wait3A_433 = arith.constant 0 : i32
                %dma_wait3A_434 = tpu.memref_slice %run_scoped3A_3[%rem3A_351, %dma_wait3A_433] : memref<2x64xi32, #tpu.memory_space<vmem>> -> memref<1x64xi32, #tpu.memory_space<vmem>>
                %dma_wait3A_435 = tpu.memref_squeeze %dma_wait3A_434 : memref<1x64xi32, #tpu.memory_space<vmem>> -> memref<64xi32, #tpu.memory_space<vmem>>
                %dma_wait3A_436 = arith.constant 0 : i32
                %dma_wait3A_437 = arith.constant 0 : i32
                %dma_wait3A_438 = tpu.memref_slice %arg2[%dma_wait3A_436, %dma_wait3A_437] : memref<589824x128xf32, #tpu.memory_space<hbm>> -> memref<589824x128xf32, #tpu.memory_space<hbm>>
                tpu.wait_indirect_dma semaphore(%run_scoped3A_6 : memref<!tpu.dma_semaphore, #tpu.memory_space<semaphore_mem>>) src(%dma_wait3A_438 : memref<589824x128xf32, #tpu.memory_space<hbm>>) dst(%dma_wait3A_432 : memref<64x128xf32, #tpu.memory_space<vmem>>)
                "tpu.region"() ({
                  %run_scoped3A_439 = tpu.sem_alloc : memref<!tpu.dma_semaphore, #tpu.memory_space<semaphore_mem>>
                  %dma_start3A_440 = arith.constant 0 : i32
                  %dma_start3A_441 = arith.constant 0 : i32
                  %dma_start3A_442 = tpu.memref_slice %run_scoped3A_4[%rem3A_351, %dma_start3A_440, %dma_start3A_441] : memref<2x64x128xf32, #tpu.memory_space<vmem>> -> memref<1x64x128xf32, #tpu.memory_space<vmem>>
                  %dma_start3A_443 = tpu.memref_squeeze %dma_start3A_442 : memref<1x64x128xf32, #tpu.memory_space<vmem>> -> memref<64x128xf32, #tpu.memory_space<vmem>>
                  %dma_start3A_444 = arith.constant 0 : i32
                  %dma_start3A_445 = tpu.memref_slice %run_scoped3A_2[%rem3A_351, %dma_start3A_444] : memref<2x64xi32, #tpu.memory_space<vmem>> -> memref<1x64xi32, #tpu.memory_space<vmem>>
                  %dma_start3A_446 = tpu.memref_squeeze %dma_start3A_445 : memref<1x64xi32, #tpu.memory_space<vmem>> -> memref<64xi32, #tpu.memory_space<vmem>>
                  %dma_start3A_447 = arith.constant 0 : i32
                  %dma_start3A_448 = arith.constant 0 : i32
                  %dma_start3A_449 = tpu.memref_slice %arg6[%dma_start3A_447, %dma_start3A_448] : memref<12304x128xf32, #tpu.memory_space<vmem_shared>> -> memref<12304x128xf32, #tpu.memory_space<vmem_shared>>
                  tpu.enqueue_indirect_dma source(%dma_start3A_443 : memref<64x128xf32, #tpu.memory_space<vmem>>) target(%dma_start3A_449 : memref<12304x128xf32, #tpu.memory_space<vmem_shared>>) offsets(%dma_start3A_446 : memref<64xi32, #tpu.memory_space<vmem>>) semaphore(%run_scoped3A_439 : memref<!tpu.dma_semaphore, #tpu.memory_space<semaphore_mem>>) {add = true}
                  %dma_wait3A_450 = arith.constant 0 : i32
                  %dma_wait3A_451 = arith.constant 0 : i32
                  %dma_wait3A_452 = tpu.memref_slice %run_scoped3A_4[%rem3A_351, %dma_wait3A_450, %dma_wait3A_451] : memref<2x64x128xf32, #tpu.memory_space<vmem>> -> memref<1x64x128xf32, #tpu.memory_space<vmem>>
                  %dma_wait3A_453 = tpu.memref_squeeze %dma_wait3A_452 : memref<1x64x128xf32, #tpu.memory_space<vmem>> -> memref<64x128xf32, #tpu.memory_space<vmem>>
                  %dma_wait3A_454 = arith.constant 0 : i32
                  %dma_wait3A_455 = tpu.memref_slice %run_scoped3A_2[%rem3A_351, %dma_wait3A_454] : memref<2x64xi32, #tpu.memory_space<vmem>> -> memref<1x64xi32, #tpu.memory_space<vmem>>
                  %dma_wait3A_456 = tpu.memref_squeeze %dma_wait3A_455 : memref<1x64xi32, #tpu.memory_space<vmem>> -> memref<64xi32, #tpu.memory_space<vmem>>
                  %dma_wait3A_457 = arith.constant 0 : i32
                  %dma_wait3A_458 = arith.constant 0 : i32
                  %dma_wait3A_459 = tpu.memref_slice %arg6[%dma_wait3A_457, %dma_wait3A_458] : memref<12304x128xf32, #tpu.memory_space<vmem_shared>> -> memref<12304x128xf32, #tpu.memory_space<vmem_shared>>
                  tpu.wait_indirect_dma semaphore(%run_scoped3A_439 : memref<!tpu.dma_semaphore, #tpu.memory_space<semaphore_mem>>) src(%dma_wait3A_453 : memref<64x128xf32, #tpu.memory_space<vmem>>) dst(%dma_wait3A_459 : memref<12304x128xf32, #tpu.memory_space<vmem_shared>>)
                  tpu.yield
                }) : () -> ()
              } else {
              }
              %rem3A_357 = arith.constant 2 : i32
              %rem3A_358 = arith.remsi %while3A_347, %rem3A_357 : i32
              %mul3A_359 = arith.constant 64 : i32
              %mul3A_360 = arith.muli %while3A_346, %mul3A_359 : i32
              %add3A_361 = arith.constant 0 : i32
              %add3A_362 = arith.addi %mul3A_360, %add3A_361 : i32
              %get3A_363 = arith.index_cast %add3A_362 : i32 to index
              %get3A_364 = tpu.vector_load %run_scoped3A_0[%get3A_363] {strides = array<i32>} : memref<2176xi32, #tpu.memory_space<vmem>>, vector<16xi32>,
              %swap3A_365 = arith.index_cast %rem3A_358 : i32 to index
              %swap3A_366 = arith.constant 0 : index
              %swap3A_367 = tpu.vector_load %run_scoped3A_2[%swap3A_365, %swap3A_366] {strides = array<i32>} : memref<2x64xi32, #tpu.memory_space<vmem>>, vector<16xi32>,
              tpu.vector_store %run_scoped3A_2[%swap3A_365, %swap3A_366], %get3A_364 {strides = array<i32>} : memref<2x64xi32, #tpu.memory_space<vmem>>, vector<16xi32>,
              %add3A_368 = arith.constant 0 : i32
              %add3A_369 = arith.addi %mul3A_360, %add3A_368 : i32
              %get3A_370 = arith.index_cast %add3A_369 : i32 to index
              %get3A_371 = tpu.vector_load %run_scoped3A_1[%get3A_370] {strides = array<i32>} : memref<2176xi32, #tpu.memory_space<vmem>>, vector<16xi32>,
              %swap3A_372 = arith.index_cast %rem3A_358 : i32 to index
              %swap3A_373 = arith.constant 0 : index
              %swap3A_374 = tpu.vector_load %run_scoped3A_3[%swap3A_372, %swap3A_373] {strides = array<i32>} : memref<2x64xi32, #tpu.memory_space<vmem>>, vector<16xi32>,
              tpu.vector_store %run_scoped3A_3[%swap3A_372, %swap3A_373], %get3A_371 {strides = array<i32>} : memref<2x64xi32, #tpu.memory_space<vmem>>, vector<16xi32>,
              %add3A_375 = arith.constant 16 : i32
              %add3A_376 = arith.addi %mul3A_360, %add3A_375 : i32
              %get3A_377 = arith.index_cast %add3A_376 : i32 to index
              %get3A_378 = tpu.vector_load %run_scoped3A_0[%get3A_377] {strides = array<i32>} : memref<2176xi32, #tpu.memory_space<vmem>>, vector<16xi32>,
              %swap3A_379 = arith.index_cast %rem3A_358 : i32 to index
              %swap3A_380 = arith.constant 16 : index
              %swap3A_381 = tpu.vector_load %run_scoped3A_2[%swap3A_379, %swap3A_380] {strides = array<i32>} : memref<2x64xi32, #tpu.memory_space<vmem>>, vector<16xi32>,
              tpu.vector_store %run_scoped3A_2[%swap3A_379, %swap3A_380], %get3A_378 {strides = array<i32>} : memref<2x64xi32, #tpu.memory_space<vmem>>, vector<16xi32>,
              %add3A_382 = arith.constant 16 : i32
              %add3A_383 = arith.addi %mul3A_360, %add3A_382 : i32
              %get3A_384 = arith.index_cast %add3A_383 : i32 to index
              %get3A_385 = tpu.vector_load %run_scoped3A_1[%get3A_384] {strides = array<i32>} : memref<2176xi32, #tpu.memory_space<vmem>>, vector<16xi32>,
              %swap3A_386 = arith.index_cast %rem3A_358 : i32 to index
              %swap3A_387 = arith.constant 16 : index
              %swap3A_388 = tpu.vector_load %run_scoped3A_3[%swap3A_386, %swap3A_387] {strides = array<i32>} : memref<2x64xi32, #tpu.memory_space<vmem>>, vector<16xi32>,
              tpu.vector_store %run_scoped3A_3[%swap3A_386, %swap3A_387], %get3A_385 {strides = array<i32>} : memref<2x64xi32, #tpu.memory_space<vmem>>, vector<16xi32>,
              %add3A_389 = arith.constant 32 : i32
              %add3A_390 = arith.addi %mul3A_360, %add3A_389 : i32
              %get3A_391 = arith.index_cast %add3A_390 : i32 to index
              %get3A_392 = tpu.vector_load %run_scoped3A_0[%get3A_391] {strides = array<i32>} : memref<2176xi32, #tpu.memory_space<vmem>>, vector<16xi32>,
              %swap3A_393 = arith.index_cast %rem3A_358 : i32 to index
              %swap3A_394 = arith.constant 32 : index
              %swap3A_395 = tpu.vector_load %run_scoped3A_2[%swap3A_393, %swap3A_394] {strides = array<i32>} : memref<2x64xi32, #tpu.memory_space<vmem>>, vector<16xi32>,
              tpu.vector_store %run_scoped3A_2[%swap3A_393, %swap3A_394], %get3A_392 {strides = array<i32>} : memref<2x64xi32, #tpu.memory_space<vmem>>, vector<16xi32>,
              %add3A_396 = arith.constant 32 : i32
              %add3A_397 = arith.addi %mul3A_360, %add3A_396 : i32
              %get3A_398 = arith.index_cast %add3A_397 : i32 to index
              %get3A_399 = tpu.vector_load %run_scoped3A_1[%get3A_398] {strides = array<i32>} : memref<2176xi32, #tpu.memory_space<vmem>>, vector<16xi32>,
              %swap3A_400 = arith.index_cast %rem3A_358 : i32 to index
              %swap3A_401 = arith.constant 32 : index
              %swap3A_402 = tpu.vector_load %run_scoped3A_3[%swap3A_400, %swap3A_401] {strides = array<i32>} : memref<2x64xi32, #tpu.memory_space<vmem>>, vector<16xi32>,
              tpu.vector_store %run_scoped3A_3[%swap3A_400, %swap3A_401], %get3A_399 {strides = array<i32>} : memref<2x64xi32, #tpu.memory_space<vmem>>, vector<16xi32>,
              %add3A_403 = arith.constant 48 : i32
              %add3A_404 = arith.addi %mul3A_360, %add3A_403 : i32
              %get3A_405 = arith.index_cast %add3A_404 : i32 to index
              %get3A_406 = tpu.vector_load %run_scoped3A_0[%get3A_405] {strides = array<i32>} : memref<2176xi32, #tpu.memory_space<vmem>>, vector<16xi32>,
              %swap3A_407 = arith.index_cast %rem3A_358 : i32 to index
              %swap3A_408 = arith.constant 48 : index
              %swap3A_409 = tpu.vector_load %run_scoped3A_2[%swap3A_407, %swap3A_408] {strides = array<i32>} : memref<2x64xi32, #tpu.memory_space<vmem>>, vector<16xi32>,
              tpu.vector_store %run_scoped3A_2[%swap3A_407, %swap3A_408], %get3A_406 {strides = array<i32>} : memref<2x64xi32, #tpu.memory_space<vmem>>, vector<16xi32>,
              %add3A_410 = arith.constant 48 : i32
              %add3A_411 = arith.addi %mul3A_360, %add3A_410 : i32
              %get3A_412 = arith.index_cast %add3A_411 : i32 to index
              %get3A_413 = tpu.vector_load %run_scoped3A_1[%get3A_412] {strides = array<i32>} : memref<2176xi32, #tpu.memory_space<vmem>>, vector<16xi32>,
              %swap3A_414 = arith.index_cast %rem3A_358 : i32 to index
              %swap3A_415 = arith.constant 48 : index
              %swap3A_416 = tpu.vector_load %run_scoped3A_3[%swap3A_414, %swap3A_415] {strides = array<i32>} : memref<2x64xi32, #tpu.memory_space<vmem>>, vector<16xi32>,
              tpu.vector_store %run_scoped3A_3[%swap3A_414, %swap3A_415], %get3A_413 {strides = array<i32>} : memref<2x64xi32, #tpu.memory_space<vmem>>, vector<16xi32>,
              %dma_start3A_417 = arith.constant 0 : i32
              %dma_start3A_418 = arith.constant 0 : i32
              %dma_start3A_419 = tpu.memref_slice %run_scoped3A_4[%rem3A_358, %dma_start3A_417, %dma_start3A_418] : memref<2x64x128xf32, #tpu.memory_space<vmem>> -> memref<1x64x128xf32, #tpu.memory_space<vmem>>
              %dma_start3A_420 = tpu.memref_squeeze %dma_start3A_419 : memref<1x64x128xf32, #tpu.memory_space<vmem>> -> memref<64x128xf32, #tpu.memory_space<vmem>>
              %dma_start3A_421 = arith.constant 0 : i32
              %dma_start3A_422 = tpu.memref_slice %run_scoped3A_3[%rem3A_358, %dma_start3A_421] : memref<2x64xi32, #tpu.memory_space<vmem>> -> memref<1x64xi32, #tpu.memory_space<vmem>>
              %dma_start3A_423 = tpu.memref_squeeze %dma_start3A_422 : memref<1x64xi32, #tpu.memory_space<vmem>> -> memref<64xi32, #tpu.memory_space<vmem>>
              %dma_start3A_424 = arith.constant 0 : i32
              %dma_start3A_425 = arith.constant 0 : i32
              %dma_start3A_426 = tpu.memref_slice %arg2[%dma_start3A_424, %dma_start3A_425] : memref<589824x128xf32, #tpu.memory_space<hbm>> -> memref<589824x128xf32, #tpu.memory_space<hbm>>
              tpu.enqueue_indirect_dma source(%dma_start3A_426 : memref<589824x128xf32, #tpu.memory_space<hbm>>) target(%dma_start3A_420 : memref<64x128xf32, #tpu.memory_space<vmem>>) offsets(%dma_start3A_423 : memref<64xi32, #tpu.memory_space<vmem>>) semaphore(%run_scoped3A_6 : memref<!tpu.dma_semaphore, #tpu.memory_space<semaphore_mem>>)
              %add3A_427 = arith.constant 1 : i32
              %add3A_428 = arith.addi %while3A_347, %add3A_427 : i32
              scf.yield %add3A_428 : i32
            }
            %mul3A_214 = arith.constant 64 : i32
            %mul3A_215 = arith.muli %select_n3A_202, %mul3A_214 : i32
            %add3A_216 = arith.constant 0 : i32
            %add3A_217 = arith.addi %mul3A_215, %add3A_216 : i32
            %get3A = arith.index_cast %add3A_217 : i32 to index
            %get3A_218 = tpu.vector_load %run_scoped3A_0[%get3A] {strides = array<i32>} : memref<2176xi32, #tpu.memory_space<vmem>>, vector<16xi32>,
            %swap3A_219 = arith.constant 0 : i32
            %swap3A_220 = arith.index_cast %rem3A_144 : i32 to index
            %swap3A_221 = arith.index_cast %swap3A_219 : i32 to index
            %swap3A_222 = arith.constant 0 : index
            %swap3A_223 = tpu.vector_load %run_scoped3A[%swap3A_220, %swap3A_221, %swap3A_222] {strides = array<i32>} : memref<2x16x128xi32, #tpu.memory_space<vmem>>, vector<16xi32>,
            tpu.vector_store %run_scoped3A[%swap3A_220, %swap3A_221, %swap3A_222], %get3A_218 {strides = array<i32>} : memref<2x16x128xi32, #tpu.memory_space<vmem>>, vector<16xi32>,
            %add3A_224 = arith.constant 0 : i32
            %add3A_225 = arith.addi %mul3A_215, %add3A_224 : i32
            %get3A_226 = arith.index_cast %add3A_225 : i32 to index
            %get3A_227 = tpu.vector_load %run_scoped3A_1[%get3A_226] {strides = array<i32>} : memref<2176xi32, #tpu.memory_space<vmem>>, vector<16xi32>,
            %swap3A_228 = arith.constant 1 : i32
            %swap3A_229 = arith.index_cast %rem3A_144 : i32 to index
            %swap3A_230 = arith.index_cast %swap3A_228 : i32 to index
            %swap3A_231 = arith.constant 0 : index
            %swap3A_232 = tpu.vector_load %run_scoped3A[%swap3A_229, %swap3A_230, %swap3A_231] {strides = array<i32>} : memref<2x16x128xi32, #tpu.memory_space<vmem>>, vector<16xi32>,
            tpu.vector_store %run_scoped3A[%swap3A_229, %swap3A_230, %swap3A_231], %get3A_227 {strides = array<i32>} : memref<2x16x128xi32, #tpu.memory_space<vmem>>, vector<16xi32>,
            %add3A_233 = arith.constant 16 : i32
            %add3A_234 = arith.addi %mul3A_215, %add3A_233 : i32
            %get3A_235 = arith.index_cast %add3A_234 : i32 to index
            %get3A_236 = tpu.vector_load %run_scoped3A_0[%get3A_235] {strides = array<i32>} : memref<2176xi32, #tpu.memory_space<vmem>>, vector<16xi32>,
            %swap3A_237 = arith.constant 0 : i32
            %swap3A_238 = arith.index_cast %rem3A_144 : i32 to index
            %swap3A_239 = arith.index_cast %swap3A_237 : i32 to index
            %swap3A_240 = arith.constant 16 : index
            %swap3A_241 = tpu.vector_load %run_scoped3A[%swap3A_238, %swap3A_239, %swap3A_240] {strides = array<i32>} : memref<2x16x128xi32, #tpu.memory_space<vmem>>, vector<16xi32>,
            tpu.vector_store %run_scoped3A[%swap3A_238, %swap3A_239, %swap3A_240], %get3A_236 {strides = array<i32>} : memref<2x16x128xi32, #tpu.memory_space<vmem>>, vector<16xi32>,
            %add3A_242 = arith.constant 16 : i32
            %add3A_243 = arith.addi %mul3A_215, %add3A_242 : i32
            %get3A_244 = arith.index_cast %add3A_243 : i32 to index
            %get3A_245 = tpu.vector_load %run_scoped3A_1[%get3A_244] {strides = array<i32>} : memref<2176xi32, #tpu.memory_space<vmem>>, vector<16xi32>,
            %swap3A_246 = arith.constant 1 : i32
            %swap3A_247 = arith.index_cast %rem3A_144 : i32 to index
            %swap3A_248 = arith.index_cast %swap3A_246 : i32 to index
            %swap3A_249 = arith.constant 16 : index
            %swap3A_250 = tpu.vector_load %run_scoped3A[%swap3A_247, %swap3A_248, %swap3A_249] {strides = array<i32>} : memref<2x16x128xi32, #tpu.memory_space<vmem>>, vector<16xi32>,
            tpu.vector_store %run_scoped3A[%swap3A_247, %swap3A_248, %swap3A_249], %get3A_245 {strides = array<i32>} : memref<2x16x128xi32, #tpu.memory_space<vmem>>, vector<16xi32>,
            %add3A_251 = arith.constant 32 : i32
            %add3A_252 = arith.addi %mul3A_215, %add3A_251 : i32
            %get3A_253 = arith.index_cast %add3A_252 : i32 to index
            %get3A_254 = tpu.vector_load %run_scoped3A_0[%get3A_253] {strides = array<i32>} : memref<2176xi32, #tpu.memory_space<vmem>>, vector<16xi32>,
            %swap3A_255 = arith.constant 0 : i32
            %swap3A_256 = arith.index_cast %rem3A_144 : i32 to index
            %swap3A_257 = arith.index_cast %swap3A_255 : i32 to index
            %swap3A_258 = arith.constant 32 : index
            %swap3A_259 = tpu.vector_load %run_scoped3A[%swap3A_256, %swap3A_257, %swap3A_258] {strides = array<i32>} : memref<2x16x128xi32, #tpu.memory_space<vmem>>, vector<16xi32>,
            tpu.vector_store %run_scoped3A[%swap3A_256, %swap3A_257, %swap3A_258], %get3A_254 {strides = array<i32>} : memref<2x16x128xi32, #tpu.memory_space<vmem>>, vector<16xi32>,
            %add3A_260 = arith.constant 32 : i32
            %add3A_261 = arith.addi %mul3A_215, %add3A_260 : i32
            %get3A_262 = arith.index_cast %add3A_261 : i32 to index
            %get3A_263 = tpu.vector_load %run_scoped3A_1[%get3A_262] {strides = array<i32>} : memref<2176xi32, #tpu.memory_space<vmem>>, vector<16xi32>,
            %swap3A_264 = arith.constant 1 : i32
            %swap3A_265 = arith.index_cast %rem3A_144 : i32 to index
            %swap3A_266 = arith.index_cast %swap3A_264 : i32 to index
            %swap3A_267 = arith.constant 32 : index
            %swap3A_268 = tpu.vector_load %run_scoped3A[%swap3A_265, %swap3A_266, %swap3A_267] {strides = array<i32>} : memref<2x16x128xi32, #tpu.memory_space<vmem>>, vector<16xi32>,
            tpu.vector_store %run_scoped3A[%swap3A_265, %swap3A_266, %swap3A_267], %get3A_263 {strides = array<i32>} : memref<2x16x128xi32, #tpu.memory_space<vmem>>, vector<16xi32>,
            %add3A_269 = arith.constant 48 : i32
            %add3A_270 = arith.addi %mul3A_215, %add3A_269 : i32
            %get3A_271 = arith.index_cast %add3A_270 : i32 to index
            %get3A_272 = tpu.vector_load %run_scoped3A_0[%get3A_271] {strides = array<i32>} : memref<2176xi32, #tpu.memory_space<vmem>>, vector<16xi32>,
            %swap3A_273 = arith.constant 0 : i32
            %swap3A_274 = arith.index_cast %rem3A_144 : i32 to index
            %swap3A_275 = arith.index_cast %swap3A_273 : i32 to index
            %swap3A_276 = arith.constant 48 : index
            %swap3A_277 = tpu.vector_load %run_scoped3A[%swap3A_274, %swap3A_275, %swap3A_276] {strides = array<i32>} : memref<2x16x128xi32, #tpu.memory_space<vmem>>, vector<16xi32>,
            tpu.vector_store %run_scoped3A[%swap3A_274, %swap3A_275, %swap3A_276], %get3A_272 {strides = array<i32>} : memref<2x16x128xi32, #tpu.memory_space<vmem>>, vector<16xi32>,
            %add3A_278 = arith.constant 48 : i32
            %add3A_279 = arith.addi %mul3A_215, %add3A_278 : i32
            %get3A_280 = arith.index_cast %add3A_279 : i32 to index
            %get3A_281 = tpu.vector_load %run_scoped3A_1[%get3A_280] {strides = array<i32>} : memref<2176xi32, #tpu.memory_space<vmem>>, vector<16xi32>,
            %swap3A_282 = arith.constant 1 : i32
            %swap3A_283 = arith.index_cast %rem3A_144 : i32 to index
            %swap3A_284 = arith.index_cast %swap3A_282 : i32 to index
            %swap3A_285 = arith.constant 48 : index
            %swap3A_286 = tpu.vector_load %run_scoped3A[%swap3A_283, %swap3A_284, %swap3A_285] {strides = array<i32>} : memref<2x16x128xi32, #tpu.memory_space<vmem>>, vector<16xi32>,
            tpu.vector_store %run_scoped3A[%swap3A_283, %swap3A_284, %swap3A_285], %get3A_281 {strides = array<i32>} : memref<2x16x128xi32, #tpu.memory_space<vmem>>, vector<16xi32>,
            %get3A_287 = arith.constant 0 : i32
            %get3A_288 = arith.index_cast %rem3A_144 : i32 to index
            %get3A_289 = arith.index_cast %get3A_287 : i32 to index
            %get3A_290 = arith.constant 0 : index
            %get3A_291 = tpu.vector_load %run_scoped3A[%get3A_288, %get3A_289, %get3A_290] {strides = array<i32>} : memref<2x16x128xi32, #tpu.memory_space<vmem>>, vector<16xi32>,
            %swap3A_292 = arith.constant 0 : index
            %swap3A_293 = tpu.vector_load %run_scoped3A_0[%swap3A_292] {strides = array<i32>} : memref<2176xi32, #tpu.memory_space<vmem>>, vector<16xi32>,
            tpu.vector_store %run_scoped3A_0[%swap3A_292], %get3A_291 {strides = array<i32>} : memref<2176xi32, #tpu.memory_space<vmem>>, vector<16xi32>,
            %get3A_294 = arith.constant 1 : i32
            %get3A_295 = arith.index_cast %rem3A_144 : i32 to index
            %get3A_296 = arith.index_cast %get3A_294 : i32 to index
            %get3A_297 = arith.constant 0 : index
            %get3A_298 = tpu.vector_load %run_scoped3A[%get3A_295, %get3A_296, %get3A_297] {strides = array<i32>} : memref<2x16x128xi32, #tpu.memory_space<vmem>>, vector<16xi32>,
            %swap3A_299 = arith.constant 0 : index
            %swap3A_300 = tpu.vector_load %run_scoped3A_1[%swap3A_299] {strides = array<i32>} : memref<2176xi32, #tpu.memory_space<vmem>>, vector<16xi32>,
            tpu.vector_store %run_scoped3A_1[%swap3A_299], %get3A_298 {strides = array<i32>} : memref<2176xi32, #tpu.memory_space<vmem>>, vector<16xi32>,
            %get3A_301 = arith.constant 0 : i32
            %get3A_302 = arith.index_cast %rem3A_144 : i32 to index
            %get3A_303 = arith.index_cast %get3A_301 : i32 to index
            %get3A_304 = arith.constant 16 : index
            %get3A_305 = tpu.vector_load %run_scoped3A[%get3A_302, %get3A_303, %get3A_304] {strides = array<i32>} : memref<2x16x128xi32, #tpu.memory_space<vmem>>, vector<16xi32>,
            %swap3A_306 = arith.constant 16 : index
            %swap3A_307 = tpu.vector_load %run_scoped3A_0[%swap3A_306] {strides = array<i32>} : memref<2176xi32, #tpu.memory_space<vmem>>, vector<16xi32>,
            tpu.vector_store %run_scoped3A_0[%swap3A_306], %get3A_305 {strides = array<i32>} : memref<2176xi32, #tpu.memory_space<vmem>>, vector<16xi32>,
            %get3A_308 = arith.constant 1 : i32
            %get3A_309 = arith.index_cast %rem3A_144 : i32 to index
            %get3A_310 = arith.index_cast %get3A_308 : i32 to index
            %get3A_311 = arith.constant 16 : index
            %get3A_312 = tpu.vector_load %run_scoped3A[%get3A_309, %get3A_310, %get3A_311] {strides = array<i32>} : memref<2x16x128xi32, #tpu.memory_space<vmem>>, vector<16xi32>,
            %swap3A_313 = arith.constant 16 : index
            %swap3A_314 = tpu.vector_load %run_scoped3A_1[%swap3A_313] {strides = array<i32>} : memref<2176xi32, #tpu.memory_space<vmem>>, vector<16xi32>,
            tpu.vector_store %run_scoped3A_1[%swap3A_313], %get3A_312 {strides = array<i32>} : memref<2176xi32, #tpu.memory_space<vmem>>, vector<16xi32>,
            %get3A_315 = arith.constant 0 : i32
            %get3A_316 = arith.index_cast %rem3A_144 : i32 to index
            %get3A_317 = arith.index_cast %get3A_315 : i32 to index
            %get3A_318 = arith.constant 32 : index
            %get3A_319 = tpu.vector_load %run_scoped3A[%get3A_316, %get3A_317, %get3A_318] {strides = array<i32>} : memref<2x16x128xi32, #tpu.memory_space<vmem>>, vector<16xi32>,
            %swap3A_320 = arith.constant 32 : index
            %swap3A_321 = tpu.vector_load %run_scoped3A_0[%swap3A_320] {strides = array<i32>} : memref<2176xi32, #tpu.memory_space<vmem>>, vector<16xi32>,
            tpu.vector_store %run_scoped3A_0[%swap3A_320], %get3A_319 {strides = array<i32>} : memref<2176xi32, #tpu.memory_space<vmem>>, vector<16xi32>,
            %get3A_322 = arith.constant 1 : i32
            %get3A_323 = arith.index_cast %rem3A_144 : i32 to index
            %get3A_324 = arith.index_cast %get3A_322 : i32 to index
            %get3A_325 = arith.constant 32 : index
            %get3A_326 = tpu.vector_load %run_scoped3A[%get3A_323, %get3A_324, %get3A_325] {strides = array<i32>} : memref<2x16x128xi32, #tpu.memory_space<vmem>>, vector<16xi32>,
            %swap3A_327 = arith.constant 32 : index
            %swap3A_328 = tpu.vector_load %run_scoped3A_1[%swap3A_327] {strides = array<i32>} : memref<2176xi32, #tpu.memory_space<vmem>>, vector<16xi32>,
            tpu.vector_store %run_scoped3A_1[%swap3A_327], %get3A_326 {strides = array<i32>} : memref<2176xi32, #tpu.memory_space<vmem>>, vector<16xi32>,
            %get3A_329 = arith.constant 0 : i32
            %get3A_330 = arith.index_cast %rem3A_144 : i32 to index
            %get3A_331 = arith.index_cast %get3A_329 : i32 to index
            %get3A_332 = arith.constant 48 : index
            %get3A_333 = tpu.vector_load %run_scoped3A[%get3A_330, %get3A_331, %get3A_332] {strides = array<i32>} : memref<2x16x128xi32, #tpu.memory_space<vmem>>, vector<16xi32>,
            %swap3A_334 = arith.constant 48 : index
            %swap3A_335 = tpu.vector_load %run_scoped3A_0[%swap3A_334] {strides = array<i32>} : memref<2176xi32, #tpu.memory_space<vmem>>, vector<16xi32>,
            tpu.vector_store %run_scoped3A_0[%swap3A_334], %get3A_333 {strides = array<i32>} : memref<2176xi32, #tpu.memory_space<vmem>>, vector<16xi32>,
            %get3A_336 = arith.constant 1 : i32
            %get3A_337 = arith.index_cast %rem3A_144 : i32 to index
            %get3A_338 = arith.index_cast %get3A_336 : i32 to index
            %get3A_339 = arith.constant 48 : index
            %get3A_340 = tpu.vector_load %run_scoped3A[%get3A_337, %get3A_338, %get3A_339] {strides = array<i32>} : memref<2x16x128xi32, #tpu.memory_space<vmem>>, vector<16xi32>,
            %swap3A_341 = arith.constant 48 : index
            %swap3A_342 = tpu.vector_load %run_scoped3A_1[%swap3A_341] {strides = array<i32>} : memref<2176xi32, #tpu.memory_space<vmem>>, vector<16xi32>,
            tpu.vector_store %run_scoped3A_1[%swap3A_341], %get3A_340 {strides = array<i32>} : memref<2176xi32, #tpu.memory_space<vmem>>, vector<16xi32>,
            %mul3A_343 = arith.constant 64 : i32
            %mul3A_344 = arith.muli %select_n3A_202, %mul3A_343 : i32
            %sub3A_345 = arith.subi %scan3A_177#0, %mul3A_344 : i32
            scf.yield %sub3A_345, %while3A_213 : i32, i32
          }
          %scan3A_54 = arith.constant 18 : i32
          %broadcast_in_dim3A = arith.constant 12288 : i32
          %broadcast_in_dim3A_55 = vector.broadcast %broadcast_in_dim3A : i32 to vector<16xi32>
          %broadcast_in_dim3A_56 = arith.constant 0 : i32
          %broadcast_in_dim3A_57 = vector.broadcast %broadcast_in_dim3A_56 : i32 to vector<16xi32>
          %add3A_58 = arith.constant 0 : i32
          %add3A_59 = arith.addi %scan3A_53#0, %add3A_58 : i32
          %swap3A = arith.index_cast %add3A_59 : i32 to index
          %swap3A_60 = tpu.vector_load %run_scoped3A_0[%swap3A] {strides = array<i32>} : memref<2176xi32, #tpu.memory_space<vmem>>, vector<16xi32>,
          tpu.vector_store %run_scoped3A_0[%swap3A], %broadcast_in_dim3A_55 {strides = array<i32>} : memref<2176xi32, #tpu.memory_space<vmem>>, vector<16xi32>,
          %add3A_61 = arith.constant 0 : i32
          %add3A_62 = arith.addi %scan3A_53#0, %add3A_61 : i32
          %swap3A_63 = arith.index_cast %add3A_62 : i32 to index
          %swap3A_64 = tpu.vector_load %run_scoped3A_1[%swap3A_63] {strides = array<i32>} : memref<2176xi32, #tpu.memory_space<vmem>>, vector<16xi32>,
          tpu.vector_store %run_scoped3A_1[%swap3A_63], %broadcast_in_dim3A_57 {strides = array<i32>} : memref<2176xi32, #tpu.memory_space<vmem>>, vector<16xi32>,
          %add3A_65 = arith.constant 16 : i32
          %add3A_66 = arith.addi %scan3A_53#0, %add3A_65 : i32
          %swap3A_67 = arith.index_cast %add3A_66 : i32 to index
          %swap3A_68 = tpu.vector_load %run_scoped3A_0[%swap3A_67] {strides = array<i32>} : memref<2176xi32, #tpu.memory_space<vmem>>, vector<16xi32>,
          tpu.vector_store %run_scoped3A_0[%swap3A_67], %broadcast_in_dim3A_55 {strides = array<i32>} : memref<2176xi32, #tpu.memory_space<vmem>>, vector<16xi32>,
          %add3A_69 = arith.constant 16 : i32
          %add3A_70 = arith.addi %scan3A_53#0, %add3A_69 : i32
          %swap3A_71 = arith.index_cast %add3A_70 : i32 to index
          %swap3A_72 = tpu.vector_load %run_scoped3A_1[%swap3A_71] {strides = array<i32>} : memref<2176xi32, #tpu.memory_space<vmem>>, vector<16xi32>,
          tpu.vector_store %run_scoped3A_1[%swap3A_71], %broadcast_in_dim3A_57 {strides = array<i32>} : memref<2176xi32, #tpu.memory_space<vmem>>, vector<16xi32>,
          %add3A_73 = arith.constant 32 : i32
          %add3A_74 = arith.addi %scan3A_53#0, %add3A_73 : i32
          %swap3A_75 = arith.index_cast %add3A_74 : i32 to index
          %swap3A_76 = tpu.vector_load %run_scoped3A_0[%swap3A_75] {strides = array<i32>} : memref<2176xi32, #tpu.memory_space<vmem>>, vector<16xi32>,
          tpu.vector_store %run_scoped3A_0[%swap3A_75], %broadcast_in_dim3A_55 {strides = array<i32>} : memref<2176xi32, #tpu.memory_space<vmem>>, vector<16xi32>,
          %add3A_77 = arith.constant 32 : i32
          %add3A_78 = arith.addi %scan3A_53#0, %add3A_77 : i32
          %swap3A_79 = arith.index_cast %add3A_78 : i32 to index
          %swap3A_80 = tpu.vector_load %run_scoped3A_1[%swap3A_79] {strides = array<i32>} : memref<2176xi32, #tpu.memory_space<vmem>>, vector<16xi32>,
          tpu.vector_store %run_scoped3A_1[%swap3A_79], %broadcast_in_dim3A_57 {strides = array<i32>} : memref<2176xi32, #tpu.memory_space<vmem>>, vector<16xi32>,
          %add3A_81 = arith.constant 48 : i32
          %add3A_82 = arith.addi %scan3A_53#0, %add3A_81 : i32
          %swap3A_83 = arith.index_cast %add3A_82 : i32 to index
          %swap3A_84 = tpu.vector_load %run_scoped3A_0[%swap3A_83] {strides = array<i32>} : memref<2176xi32, #tpu.memory_space<vmem>>, vector<16xi32>,
          tpu.vector_store %run_scoped3A_0[%swap3A_83], %broadcast_in_dim3A_55 {strides = array<i32>} : memref<2176xi32, #tpu.memory_space<vmem>>, vector<16xi32>,
          %add3A_85 = arith.constant 48 : i32
          %add3A_86 = arith.addi %scan3A_53#0, %add3A_85 : i32
          %swap3A_87 = arith.index_cast %add3A_86 : i32 to index
          %swap3A_88 = tpu.vector_load %run_scoped3A_1[%swap3A_87] {strides = array<i32>} : memref<2176xi32, #tpu.memory_space<vmem>>, vector<16xi32>,
          tpu.vector_store %run_scoped3A_1[%swap3A_87], %broadcast_in_dim3A_57 {strides = array<i32>} : memref<2176xi32, #tpu.memory_space<vmem>>, vector<16xi32>,
          %add3A_89 = arith.constant 63 : i32
          %add3A_90 = arith.addi %scan3A_53#0, %add3A_89 : i32
          %jit3A = arith.constant 64 : i32
          %div3A = arith.divsi %add3A_90, %jit3A : i32
          %sign3A = arith.constant 0 : i32
          %sign3A_91 = arith.cmpi sgt, %add3A_90, %sign3A : i32
          %sign3A_92 = arith.extui %sign3A_91 : i1 to i32
          %sign3A_93 = arith.constant 0 : i32
          %sign3A_94 = arith.cmpi slt, %add3A_90, %sign3A_93 : i32
          %sign3A_95 = arith.extui %sign3A_94 : i1 to i32
          %sign3A_96 = arith.subi %sign3A_92, %sign3A_95 : i32
          %sign3A_97 = arith.constant 0 : i32
          %sign3A_98 = arith.cmpi sgt, %jit3A, %sign3A_97 : i32
          %sign3A_99 = arith.extui %sign3A_98 : i1 to i32
          %sign3A_100 = arith.constant 0 : i32
          %sign3A_101 = arith.cmpi slt, %jit3A, %sign3A_100 : i32
          %sign3A_102 = arith.extui %sign3A_101 : i1 to i32
          %sign3A_103 = arith.subi %sign3A_99, %sign3A_102 : i32
          %ne3A_104 = arith.cmpi ne, %sign3A_96, %sign3A_103 : i32
          %rem3A = arith.remsi %add3A_90, %jit3A : i32
          %ne3A_105 = arith.constant 0 : i32
          %ne3A_106 = arith.cmpi ne, %rem3A, %ne3A_105 : i32
          %and3A = arith.andi %ne3A_104, %ne3A_106 : i1
          %sub3A = arith.constant 1 : i32
          %sub3A_107 = arith.subi %div3A, %sub3A : i32
          %select_n3A = arith.select %and3A, %sub3A_107, %div3A : i32
          %while3A = arith.constant 0 : i32
          %while3A_108 = arith.subi %select_n3A, %while3A : i32
          %while3A_109 = arith.addi %while3A, %while3A_108 : i32
          %while3A_110 = arith.constant 1 : i32
          %while3A_111 = arith.divsi %while3A_108, %while3A_110 : i32
          %while3A_112 = arith.muli %while3A_111, %while3A_110 : i32
          %while3A_113 = arith.addi %while3A, %while3A_112 : i32
          %while3A_114 = arith.constant 1 : i32
          %while3A_115 = scf.for %while3A_140 = %while3A to %while3A_113 step %while3A_114 iter_args(%while3A_141 = %scan3A_53#1) -> (i32)  : i32 {
            %add3A_142 = arith.constant 1 : i32
            %add3A_143 = arith.addi %while3A_141, %add3A_142 : i32
            %rem3A_144 = arith.constant 2 : i32
            %rem3A_145 = arith.remsi %add3A_143, %rem3A_144 : i32
            %ge3A_146 = arith.constant 1 : i32
            %ge3A_147 = arith.cmpi sge, %while3A_141, %ge3A_146 : i32
            %convert_element_type3A_148 = arith.extui %ge3A_147 : i1 to i32
            %cond3A_149 = arith.constant 0 : i32
            %cond3A_150 = arith.cmpi ne, %convert_element_type3A_148, %cond3A_149 : i32
            scf.if %cond3A_150 {
              %dma_wait3A = arith.constant 0 : i32
              %dma_wait3A_222 = arith.constant 0 : i32
              %dma_wait3A_223 = tpu.memref_slice %run_scoped3A_4[%rem3A_145, %dma_wait3A, %dma_wait3A_222] : memref<2x64x128xf32, #tpu.memory_space<vmem>> -> memref<1x64x128xf32, #tpu.memory_space<vmem>>
              %dma_wait3A_224 = tpu.memref_squeeze %dma_wait3A_223 : memref<1x64x128xf32, #tpu.memory_space<vmem>> -> memref<64x128xf32, #tpu.memory_space<vmem>>
              %dma_wait3A_225 = arith.constant 0 : i32
              %dma_wait3A_226 = tpu.memref_slice %run_scoped3A_3[%rem3A_145, %dma_wait3A_225] : memref<2x64xi32, #tpu.memory_space<vmem>> -> memref<1x64xi32, #tpu.memory_space<vmem>>
              %dma_wait3A_227 = tpu.memref_squeeze %dma_wait3A_226 : memref<1x64xi32, #tpu.memory_space<vmem>> -> memref<64xi32, #tpu.memory_space<vmem>>
              %dma_wait3A_228 = arith.constant 0 : i32
              %dma_wait3A_229 = arith.constant 0 : i32
              %dma_wait3A_230 = tpu.memref_slice %arg2[%dma_wait3A_228, %dma_wait3A_229] : memref<589824x128xf32, #tpu.memory_space<hbm>> -> memref<589824x128xf32, #tpu.memory_space<hbm>>
              tpu.wait_indirect_dma semaphore(%run_scoped3A_6 : memref<!tpu.dma_semaphore, #tpu.memory_space<semaphore_mem>>) src(%dma_wait3A_230 : memref<589824x128xf32, #tpu.memory_space<hbm>>) dst(%dma_wait3A_224 : memref<64x128xf32, #tpu.memory_space<vmem>>)
              "tpu.region"() ({
                %run_scoped3A_231 = tpu.sem_alloc : memref<!tpu.dma_semaphore, #tpu.memory_space<semaphore_mem>>
                %dma_start3A_232 = arith.constant 0 : i32
                %dma_start3A_233 = arith.constant 0 : i32
                %dma_start3A_234 = tpu.memref_slice %run_scoped3A_4[%rem3A_145, %dma_start3A_232, %dma_start3A_233] : memref<2x64x128xf32, #tpu.memory_space<vmem>> -> memref<1x64x128xf32, #tpu.memory_space<vmem>>
                %dma_start3A_235 = tpu.memref_squeeze %dma_start3A_234 : memref<1x64x128xf32, #tpu.memory_space<vmem>> -> memref<64x128xf32, #tpu.memory_space<vmem>>
                %dma_start3A_236 = arith.constant 0 : i32
                %dma_start3A_237 = tpu.memref_slice %run_scoped3A_2[%rem3A_145, %dma_start3A_236] : memref<2x64xi32, #tpu.memory_space<vmem>> -> memref<1x64xi32, #tpu.memory_space<vmem>>
                %dma_start3A_238 = tpu.memref_squeeze %dma_start3A_237 : memref<1x64xi32, #tpu.memory_space<vmem>> -> memref<64xi32, #tpu.memory_space<vmem>>
                %dma_start3A_239 = arith.constant 0 : i32
                %dma_start3A_240 = arith.constant 0 : i32
                %dma_start3A_241 = tpu.memref_slice %arg6[%dma_start3A_239, %dma_start3A_240] : memref<12304x128xf32, #tpu.memory_space<vmem_shared>> -> memref<12304x128xf32, #tpu.memory_space<vmem_shared>>
                tpu.enqueue_indirect_dma source(%dma_start3A_235 : memref<64x128xf32, #tpu.memory_space<vmem>>) target(%dma_start3A_241 : memref<12304x128xf32, #tpu.memory_space<vmem_shared>>) offsets(%dma_start3A_238 : memref<64xi32, #tpu.memory_space<vmem>>) semaphore(%run_scoped3A_231 : memref<!tpu.dma_semaphore, #tpu.memory_space<semaphore_mem>>) {add = true}
                %dma_wait3A_242 = arith.constant 0 : i32
                %dma_wait3A_243 = arith.constant 0 : i32
                %dma_wait3A_244 = tpu.memref_slice %run_scoped3A_4[%rem3A_145, %dma_wait3A_242, %dma_wait3A_243] : memref<2x64x128xf32, #tpu.memory_space<vmem>> -> memref<1x64x128xf32, #tpu.memory_space<vmem>>
                %dma_wait3A_245 = tpu.memref_squeeze %dma_wait3A_244 : memref<1x64x128xf32, #tpu.memory_space<vmem>> -> memref<64x128xf32, #tpu.memory_space<vmem>>
                %dma_wait3A_246 = arith.constant 0 : i32
                %dma_wait3A_247 = tpu.memref_slice %run_scoped3A_2[%rem3A_145, %dma_wait3A_246] : memref<2x64xi32, #tpu.memory_space<vmem>> -> memref<1x64xi32, #tpu.memory_space<vmem>>
                %dma_wait3A_248 = tpu.memref_squeeze %dma_wait3A_247 : memref<1x64xi32, #tpu.memory_space<vmem>> -> memref<64xi32, #tpu.memory_space<vmem>>
                %dma_wait3A_249 = arith.constant 0 : i32
                %dma_wait3A_250 = arith.constant 0 : i32
                %dma_wait3A_251 = tpu.memref_slice %arg6[%dma_wait3A_249, %dma_wait3A_250] : memref<12304x128xf32, #tpu.memory_space<vmem_shared>> -> memref<12304x128xf32, #tpu.memory_space<vmem_shared>>
                tpu.wait_indirect_dma semaphore(%run_scoped3A_231 : memref<!tpu.dma_semaphore, #tpu.memory_space<semaphore_mem>>) src(%dma_wait3A_245 : memref<64x128xf32, #tpu.memory_space<vmem>>) dst(%dma_wait3A_251 : memref<12304x128xf32, #tpu.memory_space<vmem_shared>>)
                tpu.yield
              }) : () -> ()
            } else {
            }
            %rem3A_151 = arith.constant 2 : i32
            %rem3A_152 = arith.remsi %while3A_141, %rem3A_151 : i32
            %mul3A_153 = arith.constant 64 : i32
            %mul3A_154 = arith.muli %while3A_140, %mul3A_153 : i32
            %add3A_155 = arith.constant 0 : i32
            %add3A_156 = arith.addi %mul3A_154, %add3A_155 : i32
            %get3A = arith.index_cast %add3A_156 : i32 to index
            %get3A_157 = tpu.vector_load %run_scoped3A_0[%get3A] {strides = array<i32>} : memref<2176xi32, #tpu.memory_space<vmem>>, vector<16xi32>,
            %swap3A_158 = arith.index_cast %rem3A_152 : i32 to index
            %swap3A_159 = arith.constant 0 : index
            %swap3A_160 = tpu.vector_load %run_scoped3A_2[%swap3A_158, %swap3A_159] {strides = array<i32>} : memref<2x64xi32, #tpu.memory_space<vmem>>, vector<16xi32>,
            tpu.vector_store %run_scoped3A_2[%swap3A_158, %swap3A_159], %get3A_157 {strides = array<i32>} : memref<2x64xi32, #tpu.memory_space<vmem>>, vector<16xi32>,
            %add3A_161 = arith.constant 0 : i32
            %add3A_162 = arith.addi %mul3A_154, %add3A_161 : i32
            %get3A_163 = arith.index_cast %add3A_162 : i32 to index
            %get3A_164 = tpu.vector_load %run_scoped3A_1[%get3A_163] {strides = array<i32>} : memref<2176xi32, #tpu.memory_space<vmem>>, vector<16xi32>,
            %swap3A_165 = arith.index_cast %rem3A_152 : i32 to index
            %swap3A_166 = arith.constant 0 : index
            %swap3A_167 = tpu.vector_load %run_scoped3A_3[%swap3A_165, %swap3A_166] {strides = array<i32>} : memref<2x64xi32, #tpu.memory_space<vmem>>, vector<16xi32>,
            tpu.vector_store %run_scoped3A_3[%swap3A_165, %swap3A_166], %get3A_164 {strides = array<i32>} : memref<2x64xi32, #tpu.memory_space<vmem>>, vector<16xi32>,
            %add3A_168 = arith.constant 16 : i32
            %add3A_169 = arith.addi %mul3A_154, %add3A_168 : i32
            %get3A_170 = arith.index_cast %add3A_169 : i32 to index
            %get3A_171 = tpu.vector_load %run_scoped3A_0[%get3A_170] {strides = array<i32>} : memref<2176xi32, #tpu.memory_space<vmem>>, vector<16xi32>,
            %swap3A_172 = arith.index_cast %rem3A_152 : i32 to index
            %swap3A_173 = arith.constant 16 : index
            %swap3A_174 = tpu.vector_load %run_scoped3A_2[%swap3A_172, %swap3A_173] {strides = array<i32>} : memref<2x64xi32, #tpu.memory_space<vmem>>, vector<16xi32>,
            tpu.vector_store %run_scoped3A_2[%swap3A_172, %swap3A_173], %get3A_171 {strides = array<i32>} : memref<2x64xi32, #tpu.memory_space<vmem>>, vector<16xi32>,
            %add3A_175 = arith.constant 16 : i32
            %add3A_176 = arith.addi %mul3A_154, %add3A_175 : i32
            %get3A_177 = arith.index_cast %add3A_176 : i32 to index
            %get3A_178 = tpu.vector_load %run_scoped3A_1[%get3A_177] {strides = array<i32>} : memref<2176xi32, #tpu.memory_space<vmem>>, vector<16xi32>,
            %swap3A_179 = arith.index_cast %rem3A_152 : i32 to index
            %swap3A_180 = arith.constant 16 : index
            %swap3A_181 = tpu.vector_load %run_scoped3A_3[%swap3A_179, %swap3A_180] {strides = array<i32>} : memref<2x64xi32, #tpu.memory_space<vmem>>, vector<16xi32>,
            tpu.vector_store %run_scoped3A_3[%swap3A_179, %swap3A_180], %get3A_178 {strides = array<i32>} : memref<2x64xi32, #tpu.memory_space<vmem>>, vector<16xi32>,
            %add3A_182 = arith.constant 32 : i32
            %add3A_183 = arith.addi %mul3A_154, %add3A_182 : i32
            %get3A_184 = arith.index_cast %add3A_183 : i32 to index
            %get3A_185 = tpu.vector_load %run_scoped3A_0[%get3A_184] {strides = array<i32>} : memref<2176xi32, #tpu.memory_space<vmem>>, vector<16xi32>,
            %swap3A_186 = arith.index_cast %rem3A_152 : i32 to index
            %swap3A_187 = arith.constant 32 : index
            %swap3A_188 = tpu.vector_load %run_scoped3A_2[%swap3A_186, %swap3A_187] {strides = array<i32>} : memref<2x64xi32, #tpu.memory_space<vmem>>, vector<16xi32>,
            tpu.vector_store %run_scoped3A_2[%swap3A_186, %swap3A_187], %get3A_185 {strides = array<i32>} : memref<2x64xi32, #tpu.memory_space<vmem>>, vector<16xi32>,
            %add3A_189 = arith.constant 32 : i32
            %add3A_190 = arith.addi %mul3A_154, %add3A_189 : i32
            %get3A_191 = arith.index_cast %add3A_190 : i32 to index
            %get3A_192 = tpu.vector_load %run_scoped3A_1[%get3A_191] {strides = array<i32>} : memref<2176xi32, #tpu.memory_space<vmem>>, vector<16xi32>,
            %swap3A_193 = arith.index_cast %rem3A_152 : i32 to index
            %swap3A_194 = arith.constant 32 : index
            %swap3A_195 = tpu.vector_load %run_scoped3A_3[%swap3A_193, %swap3A_194] {strides = array<i32>} : memref<2x64xi32, #tpu.memory_space<vmem>>, vector<16xi32>,
            tpu.vector_store %run_scoped3A_3[%swap3A_193, %swap3A_194], %get3A_192 {strides = array<i32>} : memref<2x64xi32, #tpu.memory_space<vmem>>, vector<16xi32>,
            %add3A_196 = arith.constant 48 : i32
            %add3A_197 = arith.addi %mul3A_154, %add3A_196 : i32
            %get3A_198 = arith.index_cast %add3A_197 : i32 to index
            %get3A_199 = tpu.vector_load %run_scoped3A_0[%get3A_198] {strides = array<i32>} : memref<2176xi32, #tpu.memory_space<vmem>>, vector<16xi32>,
            %swap3A_200 = arith.index_cast %rem3A_152 : i32 to index
            %swap3A_201 = arith.constant 48 : index
            %swap3A_202 = tpu.vector_load %run_scoped3A_2[%swap3A_200, %swap3A_201] {strides = array<i32>} : memref<2x64xi32, #tpu.memory_space<vmem>>, vector<16xi32>,
            tpu.vector_store %run_scoped3A_2[%swap3A_200, %swap3A_201], %get3A_199 {strides = array<i32>} : memref<2x64xi32, #tpu.memory_space<vmem>>, vector<16xi32>,
            %add3A_203 = arith.constant 48 : i32
            %add3A_204 = arith.addi %mul3A_154, %add3A_203 : i32
            %get3A_205 = arith.index_cast %add3A_204 : i32 to index
            %get3A_206 = tpu.vector_load %run_scoped3A_1[%get3A_205] {strides = array<i32>} : memref<2176xi32, #tpu.memory_space<vmem>>, vector<16xi32>,
            %swap3A_207 = arith.index_cast %rem3A_152 : i32 to index
            %swap3A_208 = arith.constant 48 : index
            %swap3A_209 = tpu.vector_load %run_scoped3A_3[%swap3A_207, %swap3A_208] {strides = array<i32>} : memref<2x64xi32, #tpu.memory_space<vmem>>, vector<16xi32>,
            tpu.vector_store %run_scoped3A_3[%swap3A_207, %swap3A_208], %get3A_206 {strides = array<i32>} : memref<2x64xi32, #tpu.memory_space<vmem>>, vector<16xi32>,
            %dma_start3A_210 = arith.constant 0 : i32
            %dma_start3A_211 = arith.constant 0 : i32
            %dma_start3A_212 = tpu.memref_slice %run_scoped3A_4[%rem3A_152, %dma_start3A_210, %dma_start3A_211] : memref<2x64x128xf32, #tpu.memory_space<vmem>> -> memref<1x64x128xf32, #tpu.memory_space<vmem>>
            %dma_start3A_213 = tpu.memref_squeeze %dma_start3A_212 : memref<1x64x128xf32, #tpu.memory_space<vmem>> -> memref<64x128xf32, #tpu.memory_space<vmem>>
            %dma_start3A_214 = arith.constant 0 : i32
            %dma_start3A_215 = tpu.memref_slice %run_scoped3A_3[%rem3A_152, %dma_start3A_214] : memref<2x64xi32, #tpu.memory_space<vmem>> -> memref<1x64xi32, #tpu.memory_space<vmem>>
            %dma_start3A_216 = tpu.memref_squeeze %dma_start3A_215 : memref<1x64xi32, #tpu.memory_space<vmem>> -> memref<64xi32, #tpu.memory_space<vmem>>
            %dma_start3A_217 = arith.constant 0 : i32
            %dma_start3A_218 = arith.constant 0 : i32
            %dma_start3A_219 = tpu.memref_slice %arg2[%dma_start3A_217, %dma_start3A_218] : memref<589824x128xf32, #tpu.memory_space<hbm>> -> memref<589824x128xf32, #tpu.memory_space<hbm>>
            tpu.enqueue_indirect_dma source(%dma_start3A_219 : memref<589824x128xf32, #tpu.memory_space<hbm>>) target(%dma_start3A_213 : memref<64x128xf32, #tpu.memory_space<vmem>>) offsets(%dma_start3A_216 : memref<64xi32, #tpu.memory_space<vmem>>) semaphore(%run_scoped3A_6 : memref<!tpu.dma_semaphore, #tpu.memory_space<semaphore_mem>>)
            %add3A_220 = arith.constant 1 : i32
            %add3A_221 = arith.addi %while3A_141, %add3A_220 : i32
            scf.yield %add3A_221 : i32
          }
          %while3A_116 = arith.constant 1 : i32
          %while3A_117 = scf.for %while3A_140 = %while3A_113 to %while3A_109 step %while3A_116 iter_args(%while3A_141 = %while3A_115) -> (i32)  : i32 {
            %add3A_142 = arith.constant 1 : i32
            %add3A_143 = arith.addi %while3A_141, %add3A_142 : i32
            %rem3A_144 = arith.constant 2 : i32
            %rem3A_145 = arith.remsi %add3A_143, %rem3A_144 : i32
            %ge3A_146 = arith.constant 1 : i32
            %ge3A_147 = arith.cmpi sge, %while3A_141, %ge3A_146 : i32
            %convert_element_type3A_148 = arith.extui %ge3A_147 : i1 to i32
            %cond3A_149 = arith.constant 0 : i32
            %cond3A_150 = arith.cmpi ne, %convert_element_type3A_148, %cond3A_149 : i32
            scf.if %cond3A_150 {
              %dma_wait3A = arith.constant 0 : i32
              %dma_wait3A_222 = arith.constant 0 : i32
              %dma_wait3A_223 = tpu.memref_slice %run_scoped3A_4[%rem3A_145, %dma_wait3A, %dma_wait3A_222] : memref<2x64x128xf32, #tpu.memory_space<vmem>> -> memref<1x64x128xf32, #tpu.memory_space<vmem>>
              %dma_wait3A_224 = tpu.memref_squeeze %dma_wait3A_223 : memref<1x64x128xf32, #tpu.memory_space<vmem>> -> memref<64x128xf32, #tpu.memory_space<vmem>>
              %dma_wait3A_225 = arith.constant 0 : i32
              %dma_wait3A_226 = tpu.memref_slice %run_scoped3A_3[%rem3A_145, %dma_wait3A_225] : memref<2x64xi32, #tpu.memory_space<vmem>> -> memref<1x64xi32, #tpu.memory_space<vmem>>
              %dma_wait3A_227 = tpu.memref_squeeze %dma_wait3A_226 : memref<1x64xi32, #tpu.memory_space<vmem>> -> memref<64xi32, #tpu.memory_space<vmem>>
              %dma_wait3A_228 = arith.constant 0 : i32
              %dma_wait3A_229 = arith.constant 0 : i32
              %dma_wait3A_230 = tpu.memref_slice %arg2[%dma_wait3A_228, %dma_wait3A_229] : memref<589824x128xf32, #tpu.memory_space<hbm>> -> memref<589824x128xf32, #tpu.memory_space<hbm>>
              tpu.wait_indirect_dma semaphore(%run_scoped3A_6 : memref<!tpu.dma_semaphore, #tpu.memory_space<semaphore_mem>>) src(%dma_wait3A_230 : memref<589824x128xf32, #tpu.memory_space<hbm>>) dst(%dma_wait3A_224 : memref<64x128xf32, #tpu.memory_space<vmem>>)
              "tpu.region"() ({
                %run_scoped3A_231 = tpu.sem_alloc : memref<!tpu.dma_semaphore, #tpu.memory_space<semaphore_mem>>
                %dma_start3A_232 = arith.constant 0 : i32
                %dma_start3A_233 = arith.constant 0 : i32
                %dma_start3A_234 = tpu.memref_slice %run_scoped3A_4[%rem3A_145, %dma_start3A_232, %dma_start3A_233] : memref<2x64x128xf32, #tpu.memory_space<vmem>> -> memref<1x64x128xf32, #tpu.memory_space<vmem>>
                %dma_start3A_235 = tpu.memref_squeeze %dma_start3A_234 : memref<1x64x128xf32, #tpu.memory_space<vmem>> -> memref<64x128xf32, #tpu.memory_space<vmem>>
                %dma_start3A_236 = arith.constant 0 : i32
                %dma_start3A_237 = tpu.memref_slice %run_scoped3A_2[%rem3A_145, %dma_start3A_236] : memref<2x64xi32, #tpu.memory_space<vmem>> -> memref<1x64xi32, #tpu.memory_space<vmem>>
                %dma_start3A_238 = tpu.memref_squeeze %dma_start3A_237 : memref<1x64xi32, #tpu.memory_space<vmem>> -> memref<64xi32, #tpu.memory_space<vmem>>
                %dma_start3A_239 = arith.constant 0 : i32
                %dma_start3A_240 = arith.constant 0 : i32
                %dma_start3A_241 = tpu.memref_slice %arg6[%dma_start3A_239, %dma_start3A_240] : memref<12304x128xf32, #tpu.memory_space<vmem_shared>> -> memref<12304x128xf32, #tpu.memory_space<vmem_shared>>
                tpu.enqueue_indirect_dma source(%dma_start3A_235 : memref<64x128xf32, #tpu.memory_space<vmem>>) target(%dma_start3A_241 : memref<12304x128xf32, #tpu.memory_space<vmem_shared>>) offsets(%dma_start3A_238 : memref<64xi32, #tpu.memory_space<vmem>>) semaphore(%run_scoped3A_231 : memref<!tpu.dma_semaphore, #tpu.memory_space<semaphore_mem>>) {add = true}
                %dma_wait3A_242 = arith.constant 0 : i32
                %dma_wait3A_243 = arith.constant 0 : i32
                %dma_wait3A_244 = tpu.memref_slice %run_scoped3A_4[%rem3A_145, %dma_wait3A_242, %dma_wait3A_243] : memref<2x64x128xf32, #tpu.memory_space<vmem>> -> memref<1x64x128xf32, #tpu.memory_space<vmem>>
                %dma_wait3A_245 = tpu.memref_squeeze %dma_wait3A_244 : memref<1x64x128xf32, #tpu.memory_space<vmem>> -> memref<64x128xf32, #tpu.memory_space<vmem>>
                %dma_wait3A_246 = arith.constant 0 : i32
                %dma_wait3A_247 = tpu.memref_slice %run_scoped3A_2[%rem3A_145, %dma_wait3A_246] : memref<2x64xi32, #tpu.memory_space<vmem>> -> memref<1x64xi32, #tpu.memory_space<vmem>>
                %dma_wait3A_248 = tpu.memref_squeeze %dma_wait3A_247 : memref<1x64xi32, #tpu.memory_space<vmem>> -> memref<64xi32, #tpu.memory_space<vmem>>
                %dma_wait3A_249 = arith.constant 0 : i32
                %dma_wait3A_250 = arith.constant 0 : i32
                %dma_wait3A_251 = tpu.memref_slice %arg6[%dma_wait3A_249, %dma_wait3A_250] : memref<12304x128xf32, #tpu.memory_space<vmem_shared>> -> memref<12304x128xf32, #tpu.memory_space<vmem_shared>>
                tpu.wait_indirect_dma semaphore(%run_scoped3A_231 : memref<!tpu.dma_semaphore, #tpu.memory_space<semaphore_mem>>) src(%dma_wait3A_245 : memref<64x128xf32, #tpu.memory_space<vmem>>) dst(%dma_wait3A_251 : memref<12304x128xf32, #tpu.memory_space<vmem_shared>>)
                tpu.yield
              }) : () -> ()
            } else {
            }
            %rem3A_151 = arith.constant 2 : i32
            %rem3A_152 = arith.remsi %while3A_141, %rem3A_151 : i32
            %mul3A_153 = arith.constant 64 : i32
            %mul3A_154 = arith.muli %while3A_140, %mul3A_153 : i32
            %add3A_155 = arith.constant 0 : i32
            %add3A_156 = arith.addi %mul3A_154, %add3A_155 : i32
            %get3A = arith.index_cast %add3A_156 : i32 to index
            %get3A_157 = tpu.vector_load %run_scoped3A_0[%get3A] {strides = array<i32>} : memref<2176xi32, #tpu.memory_space<vmem>>, vector<16xi32>,
            %swap3A_158 = arith.index_cast %rem3A_152 : i32 to index
            %swap3A_159 = arith.constant 0 : index
            %swap3A_160 = tpu.vector_load %run_scoped3A_2[%swap3A_158, %swap3A_159] {strides = array<i32>} : memref<2x64xi32, #tpu.memory_space<vmem>>, vector<16xi32>,
            tpu.vector_store %run_scoped3A_2[%swap3A_158, %swap3A_159], %get3A_157 {strides = array<i32>} : memref<2x64xi32, #tpu.memory_space<vmem>>, vector<16xi32>,
            %add3A_161 = arith.constant 0 : i32
            %add3A_162 = arith.addi %mul3A_154, %add3A_161 : i32
            %get3A_163 = arith.index_cast %add3A_162 : i32 to index
            %get3A_164 = tpu.vector_load %run_scoped3A_1[%get3A_163] {strides = array<i32>} : memref<2176xi32, #tpu.memory_space<vmem>>, vector<16xi32>,
            %swap3A_165 = arith.index_cast %rem3A_152 : i32 to index
            %swap3A_166 = arith.constant 0 : index
            %swap3A_167 = tpu.vector_load %run_scoped3A_3[%swap3A_165, %swap3A_166] {strides = array<i32>} : memref<2x64xi32, #tpu.memory_space<vmem>>, vector<16xi32>,
            tpu.vector_store %run_scoped3A_3[%swap3A_165, %swap3A_166], %get3A_164 {strides = array<i32>} : memref<2x64xi32, #tpu.memory_space<vmem>>, vector<16xi32>,
            %add3A_168 = arith.constant 16 : i32
            %add3A_169 = arith.addi %mul3A_154, %add3A_168 : i32
            %get3A_170 = arith.index_cast %add3A_169 : i32 to index
            %get3A_171 = tpu.vector_load %run_scoped3A_0[%get3A_170] {strides = array<i32>} : memref<2176xi32, #tpu.memory_space<vmem>>, vector<16xi32>,
            %swap3A_172 = arith.index_cast %rem3A_152 : i32 to index
            %swap3A_173 = arith.constant 16 : index
            %swap3A_174 = tpu.vector_load %run_scoped3A_2[%swap3A_172, %swap3A_173] {strides = array<i32>} : memref<2x64xi32, #tpu.memory_space<vmem>>, vector<16xi32>,
            tpu.vector_store %run_scoped3A_2[%swap3A_172, %swap3A_173], %get3A_171 {strides = array<i32>} : memref<2x64xi32, #tpu.memory_space<vmem>>, vector<16xi32>,
            %add3A_175 = arith.constant 16 : i32
            %add3A_176 = arith.addi %mul3A_154, %add3A_175 : i32
            %get3A_177 = arith.index_cast %add3A_176 : i32 to index
            %get3A_178 = tpu.vector_load %run_scoped3A_1[%get3A_177] {strides = array<i32>} : memref<2176xi32, #tpu.memory_space<vmem>>, vector<16xi32>,
            %swap3A_179 = arith.index_cast %rem3A_152 : i32 to index
            %swap3A_180 = arith.constant 16 : index
            %swap3A_181 = tpu.vector_load %run_scoped3A_3[%swap3A_179, %swap3A_180] {strides = array<i32>} : memref<2x64xi32, #tpu.memory_space<vmem>>, vector<16xi32>,
            tpu.vector_store %run_scoped3A_3[%swap3A_179, %swap3A_180], %get3A_178 {strides = array<i32>} : memref<2x64xi32, #tpu.memory_space<vmem>>, vector<16xi32>,
            %add3A_182 = arith.constant 32 : i32
            %add3A_183 = arith.addi %mul3A_154, %add3A_182 : i32
            %get3A_184 = arith.index_cast %add3A_183 : i32 to index
            %get3A_185 = tpu.vector_load %run_scoped3A_0[%get3A_184] {strides = array<i32>} : memref<2176xi32, #tpu.memory_space<vmem>>, vector<16xi32>,
            %swap3A_186 = arith.index_cast %rem3A_152 : i32 to index
            %swap3A_187 = arith.constant 32 : index
            %swap3A_188 = tpu.vector_load %run_scoped3A_2[%swap3A_186, %swap3A_187] {strides = array<i32>} : memref<2x64xi32, #tpu.memory_space<vmem>>, vector<16xi32>,
            tpu.vector_store %run_scoped3A_2[%swap3A_186, %swap3A_187], %get3A_185 {strides = array<i32>} : memref<2x64xi32, #tpu.memory_space<vmem>>, vector<16xi32>,
            %add3A_189 = arith.constant 32 : i32
            %add3A_190 = arith.addi %mul3A_154, %add3A_189 : i32
            %get3A_191 = arith.index_cast %add3A_190 : i32 to index
            %get3A_192 = tpu.vector_load %run_scoped3A_1[%get3A_191] {strides = array<i32>} : memref<2176xi32, #tpu.memory_space<vmem>>, vector<16xi32>,
            %swap3A_193 = arith.index_cast %rem3A_152 : i32 to index
            %swap3A_194 = arith.constant 32 : index
            %swap3A_195 = tpu.vector_load %run_scoped3A_3[%swap3A_193, %swap3A_194] {strides = array<i32>} : memref<2x64xi32, #tpu.memory_space<vmem>>, vector<16xi32>,
            tpu.vector_store %run_scoped3A_3[%swap3A_193, %swap3A_194], %get3A_192 {strides = array<i32>} : memref<2x64xi32, #tpu.memory_space<vmem>>, vector<16xi32>,
            %add3A_196 = arith.constant 48 : i32
            %add3A_197 = arith.addi %mul3A_154, %add3A_196 : i32
            %get3A_198 = arith.index_cast %add3A_197 : i32 to index
            %get3A_199 = tpu.vector_load %run_scoped3A_0[%get3A_198] {strides = array<i32>} : memref<2176xi32, #tpu.memory_space<vmem>>, vector<16xi32>,
            %swap3A_200 = arith.index_cast %rem3A_152 : i32 to index
            %swap3A_201 = arith.constant 48 : index
            %swap3A_202 = tpu.vector_load %run_scoped3A_2[%swap3A_200, %swap3A_201] {strides = array<i32>} : memref<2x64xi32, #tpu.memory_space<vmem>>, vector<16xi32>,
            tpu.vector_store %run_scoped3A_2[%swap3A_200, %swap3A_201], %get3A_199 {strides = array<i32>} : memref<2x64xi32, #tpu.memory_space<vmem>>, vector<16xi32>,
            %add3A_203 = arith.constant 48 : i32
            %add3A_204 = arith.addi %mul3A_154, %add3A_203 : i32
            %get3A_205 = arith.index_cast %add3A_204 : i32 to index
            %get3A_206 = tpu.vector_load %run_scoped3A_1[%get3A_205] {strides = array<i32>} : memref<2176xi32, #tpu.memory_space<vmem>>, vector<16xi32>,
            %swap3A_207 = arith.index_cast %rem3A_152 : i32 to index
            %swap3A_208 = arith.constant 48 : index
            %swap3A_209 = tpu.vector_load %run_scoped3A_3[%swap3A_207, %swap3A_208] {strides = array<i32>} : memref<2x64xi32, #tpu.memory_space<vmem>>, vector<16xi32>,
            tpu.vector_store %run_scoped3A_3[%swap3A_207, %swap3A_208], %get3A_206 {strides = array<i32>} : memref<2x64xi32, #tpu.memory_space<vmem>>, vector<16xi32>,
            %dma_start3A_210 = arith.constant 0 : i32
            %dma_start3A_211 = arith.constant 0 : i32
            %dma_start3A_212 = tpu.memref_slice %run_scoped3A_4[%rem3A_152, %dma_start3A_210, %dma_start3A_211] : memref<2x64x128xf32, #tpu.memory_space<vmem>> -> memref<1x64x128xf32, #tpu.memory_space<vmem>>
            %dma_start3A_213 = tpu.memref_squeeze %dma_start3A_212 : memref<1x64x128xf32, #tpu.memory_space<vmem>> -> memref<64x128xf32, #tpu.memory_space<vmem>>
            %dma_start3A_214 = arith.constant 0 : i32
            %dma_start3A_215 = tpu.memref_slice %run_scoped3A_3[%rem3A_152, %dma_start3A_214] : memref<2x64xi32, #tpu.memory_space<vmem>> -> memref<1x64xi32, #tpu.memory_space<vmem>>
            %dma_start3A_216 = tpu.memref_squeeze %dma_start3A_215 : memref<1x64xi32, #tpu.memory_space<vmem>> -> memref<64xi32, #tpu.memory_space<vmem>>
            %dma_start3A_217 = arith.constant 0 : i32
            %dma_start3A_218 = arith.constant 0 : i32
            %dma_start3A_219 = tpu.memref_slice %arg2[%dma_start3A_217, %dma_start3A_218] : memref<589824x128xf32, #tpu.memory_space<hbm>> -> memref<589824x128xf32, #tpu.memory_space<hbm>>
            tpu.enqueue_indirect_dma source(%dma_start3A_219 : memref<589824x128xf32, #tpu.memory_space<hbm>>) target(%dma_start3A_213 : memref<64x128xf32, #tpu.memory_space<vmem>>) offsets(%dma_start3A_216 : memref<64xi32, #tpu.memory_space<vmem>>) semaphore(%run_scoped3A_6 : memref<!tpu.dma_semaphore, #tpu.memory_space<semaphore_mem>>)
            %add3A_220 = arith.constant 1 : i32
            %add3A_221 = arith.addi %while3A_141, %add3A_220 : i32
            scf.yield %add3A_221 : i32
          }
          %add3A_118 = arith.constant 1 : i32
          %add3A_119 = arith.addi %while3A_117, %add3A_118 : i32
          %rem3A_120 = arith.constant 2 : i32
          %rem3A_121 = arith.remsi %add3A_119, %rem3A_120 : i32
          %ge3A = arith.constant 1 : i32
          %ge3A_122 = arith.cmpi sge, %while3A_117, %ge3A : i32
          %convert_element_type3A_123 = arith.extui %ge3A_122 : i1 to i32
          %cond3A_124 = arith.constant 0 : i32
          %cond3A_125 = arith.cmpi ne, %convert_element_type3A_123, %cond3A_124 : i32
          scf.if %cond3A_125 {
            %dma_wait3A = arith.constant 0 : i32
            %dma_wait3A_140 = arith.constant 0 : i32
            %dma_wait3A_141 = tpu.memref_slice %run_scoped3A_4[%rem3A_121, %dma_wait3A, %dma_wait3A_140] : memref<2x64x128xf32, #tpu.memory_space<vmem>> -> memref<1x64x128xf32, #tpu.memory_space<vmem>>
            %dma_wait3A_142 = tpu.memref_squeeze %dma_wait3A_141 : memref<1x64x128xf32, #tpu.memory_space<vmem>> -> memref<64x128xf32, #tpu.memory_space<vmem>>
            %dma_wait3A_143 = arith.constant 0 : i32
            %dma_wait3A_144 = tpu.memref_slice %run_scoped3A_3[%rem3A_121, %dma_wait3A_143] : memref<2x64xi32, #tpu.memory_space<vmem>> -> memref<1x64xi32, #tpu.memory_space<vmem>>
            %dma_wait3A_145 = tpu.memref_squeeze %dma_wait3A_144 : memref<1x64xi32, #tpu.memory_space<vmem>> -> memref<64xi32, #tpu.memory_space<vmem>>
            %dma_wait3A_146 = arith.constant 0 : i32
            %dma_wait3A_147 = arith.constant 0 : i32
            %dma_wait3A_148 = tpu.memref_slice %arg2[%dma_wait3A_146, %dma_wait3A_147] : memref<589824x128xf32, #tpu.memory_space<hbm>> -> memref<589824x128xf32, #tpu.memory_space<hbm>>
            tpu.wait_indirect_dma semaphore(%run_scoped3A_6 : memref<!tpu.dma_semaphore, #tpu.memory_space<semaphore_mem>>) src(%dma_wait3A_148 : memref<589824x128xf32, #tpu.memory_space<hbm>>) dst(%dma_wait3A_142 : memref<64x128xf32, #tpu.memory_space<vmem>>)
            "tpu.region"() ({
              %run_scoped3A_149 = tpu.sem_alloc : memref<!tpu.dma_semaphore, #tpu.memory_space<semaphore_mem>>
              %dma_start3A_150 = arith.constant 0 : i32
              %dma_start3A_151 = arith.constant 0 : i32
              %dma_start3A_152 = tpu.memref_slice %run_scoped3A_4[%rem3A_121, %dma_start3A_150, %dma_start3A_151] : memref<2x64x128xf32, #tpu.memory_space<vmem>> -> memref<1x64x128xf32, #tpu.memory_space<vmem>>
              %dma_start3A_153 = tpu.memref_squeeze %dma_start3A_152 : memref<1x64x128xf32, #tpu.memory_space<vmem>> -> memref<64x128xf32, #tpu.memory_space<vmem>>
              %dma_start3A_154 = arith.constant 0 : i32
              %dma_start3A_155 = tpu.memref_slice %run_scoped3A_2[%rem3A_121, %dma_start3A_154] : memref<2x64xi32, #tpu.memory_space<vmem>> -> memref<1x64xi32, #tpu.memory_space<vmem>>
              %dma_start3A_156 = tpu.memref_squeeze %dma_start3A_155 : memref<1x64xi32, #tpu.memory_space<vmem>> -> memref<64xi32, #tpu.memory_space<vmem>>
              %dma_start3A_157 = arith.constant 0 : i32
              %dma_start3A_158 = arith.constant 0 : i32
              %dma_start3A_159 = tpu.memref_slice %arg6[%dma_start3A_157, %dma_start3A_158] : memref<12304x128xf32, #tpu.memory_space<vmem_shared>> -> memref<12304x128xf32, #tpu.memory_space<vmem_shared>>
              tpu.enqueue_indirect_dma source(%dma_start3A_153 : memref<64x128xf32, #tpu.memory_space<vmem>>) target(%dma_start3A_159 : memref<12304x128xf32, #tpu.memory_space<vmem_shared>>) offsets(%dma_start3A_156 : memref<64xi32, #tpu.memory_space<vmem>>) semaphore(%run_scoped3A_149 : memref<!tpu.dma_semaphore, #tpu.memory_space<semaphore_mem>>) {add = true}
              %dma_wait3A_160 = arith.constant 0 : i32
              %dma_wait3A_161 = arith.constant 0 : i32
              %dma_wait3A_162 = tpu.memref_slice %run_scoped3A_4[%rem3A_121, %dma_wait3A_160, %dma_wait3A_161] : memref<2x64x128xf32, #tpu.memory_space<vmem>> -> memref<1x64x128xf32, #tpu.memory_space<vmem>>
              %dma_wait3A_163 = tpu.memref_squeeze %dma_wait3A_162 : memref<1x64x128xf32, #tpu.memory_space<vmem>> -> memref<64x128xf32, #tpu.memory_space<vmem>>
              %dma_wait3A_164 = arith.constant 0 : i32
              %dma_wait3A_165 = tpu.memref_slice %run_scoped3A_2[%rem3A_121, %dma_wait3A_164] : memref<2x64xi32, #tpu.memory_space<vmem>> -> memref<1x64xi32, #tpu.memory_space<vmem>>
              %dma_wait3A_166 = tpu.memref_squeeze %dma_wait3A_165 : memref<1x64xi32, #tpu.memory_space<vmem>> -> memref<64xi32, #tpu.memory_space<vmem>>
              %dma_wait3A_167 = arith.constant 0 : i32
              %dma_wait3A_168 = arith.constant 0 : i32
              %dma_wait3A_169 = tpu.memref_slice %arg6[%dma_wait3A_167, %dma_wait3A_168] : memref<12304x128xf32, #tpu.memory_space<vmem_shared>> -> memref<12304x128xf32, #tpu.memory_space<vmem_shared>>
              tpu.wait_indirect_dma semaphore(%run_scoped3A_149 : memref<!tpu.dma_semaphore, #tpu.memory_space<semaphore_mem>>) src(%dma_wait3A_163 : memref<64x128xf32, #tpu.memory_space<vmem>>) dst(%dma_wait3A_169 : memref<12304x128xf32, #tpu.memory_space<vmem_shared>>)
              tpu.yield
            }) : () -> ()
          } else {
          }
          %barrier3A_126 = arith.constant 0 : index
          tpu.barrier barrier_id(%barrier3A_126)
          %scan3A_127 = arith.constant 0 : i32
          %scan3A_128 = arith.constant 0 : i32
          %scan3A_129 = arith.constant 12 : i32
          %scan3A_130 = arith.addi %scan3A_128, %scan3A_129 : i32
          %scan3A_131 = arith.constant 1 : i32
          scf.for %scan3A_140 = %scan3A_128 to %scan3A_130 step %scan3A_131  : i32 {
            %mul3A_141 = arith.constant 768 : i32
            %mul3A_142 = arith.muli %arg1, %mul3A_141 : i32
            %mul3A_143 = arith.constant 64 : i32
            %mul3A_144 = arith.muli %scan3A_140, %mul3A_143 : i32
            %add3A_145 = arith.addi %mul3A_142, %mul3A_144 : i32
            %mul3A_146 = arith.constant 768 : i32
            %mul3A_147 = arith.muli %arg1, %mul3A_146 : i32
            %add3A_148 = arith.addi %mul3A_18, %mul3A_147 : i32
            %mul3A_149 = arith.constant 64 : i32
            %mul3A_150 = arith.muli %scan3A_140, %mul3A_149 : i32
            %add3A_151 = arith.addi %add3A_148, %mul3A_150 : i32
            %dma_start3A_152 = arith.constant 0 : i32
            %dma_start3A_153 = tpu.memref_slice %arg5[%add3A_151, %dma_start3A_152] : memref<589824x128xf32, #tpu.memory_space<hbm>> -> memref<64x128xf32, #tpu.memory_space<hbm>>
            %dma_start3A_154 = arith.constant 0 : i32
            %dma_start3A_155 = tpu.memref_slice %arg6[%add3A_145, %dma_start3A_154] : memref<12304x128xf32, #tpu.memory_space<vmem_shared>> -> memref<64x128xf32, #tpu.memory_space<vmem_shared>>
            tpu.enqueue_dma source(%dma_start3A_155 : memref<64x128xf32, #tpu.memory_space<vmem_shared>>) target(%dma_start3A_153 : memref<64x128xf32, #tpu.memory_space<hbm>>) target_semaphore(%run_scoped3A_7 : memref<!tpu.dma_semaphore, #tpu.memory_space<semaphore_mem>>)
          }
          %scan3A_132 = arith.constant 12 : i32
          %scan3A_133 = arith.constant 0 : i32
          %scan3A_134 = arith.constant 0 : i32
          %scan3A_135 = arith.constant 12 : i32
          %scan3A_136 = arith.addi %scan3A_134, %scan3A_135 : i32
          %scan3A_137 = arith.constant 1 : i32
          scf.for %scan3A_140 = %scan3A_134 to %scan3A_136 step %scan3A_137  : i32 {
            %mul3A_141 = arith.constant 768 : i32
            %mul3A_142 = arith.muli %arg1, %mul3A_141 : i32
            %mul3A_143 = arith.constant 64 : i32
            %mul3A_144 = arith.muli %scan3A_140, %mul3A_143 : i32
            %add3A_145 = arith.addi %mul3A_142, %mul3A_144 : i32
            %mul3A_146 = arith.constant 768 : i32
            %mul3A_147 = arith.muli %arg1, %mul3A_146 : i32
            %add3A_148 = arith.addi %mul3A_18, %mul3A_147 : i32
            %mul3A_149 = arith.constant 64 : i32
            %mul3A_150 = arith.muli %scan3A_140, %mul3A_149 : i32
            %add3A_151 = arith.addi %add3A_148, %mul3A_150 : i32
            %dma_wait3A = arith.constant 0 : i32
            %dma_wait3A_152 = tpu.memref_slice %arg5[%add3A_151, %dma_wait3A] : memref<589824x128xf32, #tpu.memory_space<hbm>> -> memref<64x128xf32, #tpu.memory_space<hbm>>
            %dma_wait3A_153 = arith.constant 0 : i32
            %dma_wait3A_154 = tpu.memref_slice %arg6[%add3A_145, %dma_wait3A_153] : memref<12304x128xf32, #tpu.memory_space<vmem_shared>> -> memref<64x128xf32, #tpu.memory_space<vmem_shared>>
            tpu.wait_dma2 semaphore(%run_scoped3A_7 : memref<!tpu.dma_semaphore, #tpu.memory_space<semaphore_mem>>) src(%dma_wait3A_154 : memref<64x128xf32, #tpu.memory_space<vmem_shared>>) dst(%dma_wait3A_152 : memref<64x128xf32, #tpu.memory_space<hbm>>)
          }
          %scan3A_138 = arith.constant 12 : i32
          %barrier3A_139 = arith.constant 0 : index
          tpu.barrier barrier_id(%barrier3A_139)
        } else {
        }
      }
      %scan3A_12 = arith.constant 24 : i32
      tpu.yield
    }) : () -> ()
    return
  }
}

module attributes {stable_mosaic.version = 14 : i64} {
  func.func @_tr_body(%arg0: i32, %arg1: memref<6144x128xf32, #tpu.memory_space<vmem>>, %arg2: memref<96x8x768xf32, #tpu.memory_space<vmem>>) attributes {dimension_semantics = [#tpu.dimension_semantics<arbitrary>], iteration_bounds = array<i64: 96>, scalar_prefetch = 0 : i64, scratch_operands = 0 : i64, tpu.core_type = #tpu.core_type<tc>, window_params = [{transform_indices = @transform_0, window_bounds = array<i64: 6144, 128>}, {transform_indices = @transform_1, window_bounds = array<i64: 96, 8, 768>}]} {
    %get3A = arith.constant 0 : index
    %get3A_0 = arith.constant 0 : index
    %get3A_1 = vector.load %arg1[%get3A, %get3A_0] : memref<6144x128xf32, #tpu.memory_space<vmem>>, vector<768x128xf32>
    %transpose3A = tpu.transpose %get3A_1, [1, 0] : vector<768x128xf32> -> vector<128x768xf32>
    %slice3A = vector.extract_strided_slice %transpose3A {offsets = [0, 0], sizes = [96, 768], strides = [1, 1]} : vector<128x768xf32> to vector<96x768xf32>
    %swap3A = arith.constant 0 : index
    %swap3A_2 = arith.constant 0 : index
    %swap3A_3 = arith.constant 0 : index
    %swap3A_4 = vector.load %arg2[%swap3A, %swap3A_2, %swap3A_3] : memref<96x8x768xf32, #tpu.memory_space<vmem>>, vector<96x1x768xf32>
    %swap3A_5 = vector.shape_cast %swap3A_4 : vector<96x1x768xf32> to vector<96x768xf32>
    %swap3A_6 = vector.shape_cast %slice3A : vector<96x768xf32> to vector<96x1x768xf32>
    tpu.vector_store %arg2[%swap3A, %swap3A_2, %swap3A_3], %swap3A_6 {strides = array<i32>} : memref<96x8x768xf32, #tpu.memory_space<vmem>>, vector<96x1x768xf32>,
    %get3A_7 = arith.constant 768 : index
    %get3A_8 = arith.constant 0 : index
    %get3A_9 = vector.load %arg1[%get3A_7, %get3A_8] : memref<6144x128xf32, #tpu.memory_space<vmem>>, vector<768x128xf32>
    %transpose3A_10 = tpu.transpose %get3A_9, [1, 0] : vector<768x128xf32> -> vector<128x768xf32>
    %slice3A_11 = vector.extract_strided_slice %transpose3A_10 {offsets = [0, 0], sizes = [96, 768], strides = [1, 1]} : vector<128x768xf32> to vector<96x768xf32>
    %swap3A_12 = arith.constant 0 : index
    %swap3A_13 = arith.constant 1 : index
    %swap3A_14 = arith.constant 0 : index
    %swap3A_15 = vector.load %arg2[%swap3A_12, %swap3A_13, %swap3A_14] : memref<96x8x768xf32, #tpu.memory_space<vmem>>, vector<96x1x768xf32>
    %swap3A_16 = vector.shape_cast %swap3A_15 : vector<96x1x768xf32> to vector<96x768xf32>
    %swap3A_17 = vector.shape_cast %slice3A_11 : vector<96x768xf32> to vector<96x1x768xf32>
    tpu.vector_store %arg2[%swap3A_12, %swap3A_13, %swap3A_14], %swap3A_17 {strides = array<i32>} : memref<96x8x768xf32, #tpu.memory_space<vmem>>, vector<96x1x768xf32>,
    %get3A_18 = arith.constant 1536 : index
    %get3A_19 = arith.constant 0 : index
    %get3A_20 = vector.load %arg1[%get3A_18, %get3A_19] : memref<6144x128xf32, #tpu.memory_space<vmem>>, vector<768x128xf32>
    %transpose3A_21 = tpu.transpose %get3A_20, [1, 0] : vector<768x128xf32> -> vector<128x768xf32>
    %slice3A_22 = vector.extract_strided_slice %transpose3A_21 {offsets = [0, 0], sizes = [96, 768], strides = [1, 1]} : vector<128x768xf32> to vector<96x768xf32>
    %swap3A_23 = arith.constant 0 : index
    %swap3A_24 = arith.constant 2 : index
    %swap3A_25 = arith.constant 0 : index
    %swap3A_26 = vector.load %arg2[%swap3A_23, %swap3A_24, %swap3A_25] : memref<96x8x768xf32, #tpu.memory_space<vmem>>, vector<96x1x768xf32>
    %swap3A_27 = vector.shape_cast %swap3A_26 : vector<96x1x768xf32> to vector<96x768xf32>
    %swap3A_28 = vector.shape_cast %slice3A_22 : vector<96x768xf32> to vector<96x1x768xf32>
    tpu.vector_store %arg2[%swap3A_23, %swap3A_24, %swap3A_25], %swap3A_28 {strides = array<i32>} : memref<96x8x768xf32, #tpu.memory_space<vmem>>, vector<96x1x768xf32>,
    %get3A_29 = arith.constant 2304 : index
    %get3A_30 = arith.constant 0 : index
    %get3A_31 = vector.load %arg1[%get3A_29, %get3A_30] : memref<6144x128xf32, #tpu.memory_space<vmem>>, vector<768x128xf32>
    %transpose3A_32 = tpu.transpose %get3A_31, [1, 0] : vector<768x128xf32> -> vector<128x768xf32>
    %slice3A_33 = vector.extract_strided_slice %transpose3A_32 {offsets = [0, 0], sizes = [96, 768], strides = [1, 1]} : vector<128x768xf32> to vector<96x768xf32>
    %swap3A_34 = arith.constant 0 : index
    %swap3A_35 = arith.constant 3 : index
    %swap3A_36 = arith.constant 0 : index
    %swap3A_37 = vector.load %arg2[%swap3A_34, %swap3A_35, %swap3A_36] : memref<96x8x768xf32, #tpu.memory_space<vmem>>, vector<96x1x768xf32>
    %swap3A_38 = vector.shape_cast %swap3A_37 : vector<96x1x768xf32> to vector<96x768xf32>
    %swap3A_39 = vector.shape_cast %slice3A_33 : vector<96x768xf32> to vector<96x1x768xf32>
    tpu.vector_store %arg2[%swap3A_34, %swap3A_35, %swap3A_36], %swap3A_39 {strides = array<i32>} : memref<96x8x768xf32, #tpu.memory_space<vmem>>, vector<96x1x768xf32>,
    %get3A_40 = arith.constant 3072 : index
    %get3A_41 = arith.constant 0 : index
    %get3A_42 = vector.load %arg1[%get3A_40, %get3A_41] : memref<6144x128xf32, #tpu.memory_space<vmem>>, vector<768x128xf32>
    %transpose3A_43 = tpu.transpose %get3A_42, [1, 0] : vector<768x128xf32> -> vector<128x768xf32>
    %slice3A_44 = vector.extract_strided_slice %transpose3A_43 {offsets = [0, 0], sizes = [96, 768], strides = [1, 1]} : vector<128x768xf32> to vector<96x768xf32>
    %swap3A_45 = arith.constant 0 : index
    %swap3A_46 = arith.constant 4 : index
    %swap3A_47 = arith.constant 0 : index
    %swap3A_48 = vector.load %arg2[%swap3A_45, %swap3A_46, %swap3A_47] : memref<96x8x768xf32, #tpu.memory_space<vmem>>, vector<96x1x768xf32>
    %swap3A_49 = vector.shape_cast %swap3A_48 : vector<96x1x768xf32> to vector<96x768xf32>
    %swap3A_50 = vector.shape_cast %slice3A_44 : vector<96x768xf32> to vector<96x1x768xf32>
    tpu.vector_store %arg2[%swap3A_45, %swap3A_46, %swap3A_47], %swap3A_50 {strides = array<i32>} : memref<96x8x768xf32, #tpu.memory_space<vmem>>, vector<96x1x768xf32>,
    %get3A_51 = arith.constant 3840 : index
    %get3A_52 = arith.constant 0 : index
    %get3A_53 = vector.load %arg1[%get3A_51, %get3A_52] : memref<6144x128xf32, #tpu.memory_space<vmem>>, vector<768x128xf32>
    %transpose3A_54 = tpu.transpose %get3A_53, [1, 0] : vector<768x128xf32> -> vector<128x768xf32>
    %slice3A_55 = vector.extract_strided_slice %transpose3A_54 {offsets = [0, 0], sizes = [96, 768], strides = [1, 1]} : vector<128x768xf32> to vector<96x768xf32>
    %swap3A_56 = arith.constant 0 : index
    %swap3A_57 = arith.constant 5 : index
    %swap3A_58 = arith.constant 0 : index
    %swap3A_59 = vector.load %arg2[%swap3A_56, %swap3A_57, %swap3A_58] : memref<96x8x768xf32, #tpu.memory_space<vmem>>, vector<96x1x768xf32>
    %swap3A_60 = vector.shape_cast %swap3A_59 : vector<96x1x768xf32> to vector<96x768xf32>
    %swap3A_61 = vector.shape_cast %slice3A_55 : vector<96x768xf32> to vector<96x1x768xf32>
    tpu.vector_store %arg2[%swap3A_56, %swap3A_57, %swap3A_58], %swap3A_61 {strides = array<i32>} : memref<96x8x768xf32, #tpu.memory_space<vmem>>, vector<96x1x768xf32>,
    %get3A_62 = arith.constant 4608 : index
    %get3A_63 = arith.constant 0 : index
    %get3A_64 = vector.load %arg1[%get3A_62, %get3A_63] : memref<6144x128xf32, #tpu.memory_space<vmem>>, vector<768x128xf32>
    %transpose3A_65 = tpu.transpose %get3A_64, [1, 0] : vector<768x128xf32> -> vector<128x768xf32>
    %slice3A_66 = vector.extract_strided_slice %transpose3A_65 {offsets = [0, 0], sizes = [96, 768], strides = [1, 1]} : vector<128x768xf32> to vector<96x768xf32>
    %swap3A_67 = arith.constant 0 : index
    %swap3A_68 = arith.constant 6 : index
    %swap3A_69 = arith.constant 0 : index
    %swap3A_70 = vector.load %arg2[%swap3A_67, %swap3A_68, %swap3A_69] : memref<96x8x768xf32, #tpu.memory_space<vmem>>, vector<96x1x768xf32>
    %swap3A_71 = vector.shape_cast %swap3A_70 : vector<96x1x768xf32> to vector<96x768xf32>
    %swap3A_72 = vector.shape_cast %slice3A_66 : vector<96x768xf32> to vector<96x1x768xf32>
    tpu.vector_store %arg2[%swap3A_67, %swap3A_68, %swap3A_69], %swap3A_72 {strides = array<i32>} : memref<96x8x768xf32, #tpu.memory_space<vmem>>, vector<96x1x768xf32>,
    %get3A_73 = arith.constant 5376 : index
    %get3A_74 = arith.constant 0 : index
    %get3A_75 = vector.load %arg1[%get3A_73, %get3A_74] : memref<6144x128xf32, #tpu.memory_space<vmem>>, vector<768x128xf32>
    %transpose3A_76 = tpu.transpose %get3A_75, [1, 0] : vector<768x128xf32> -> vector<128x768xf32>
    %slice3A_77 = vector.extract_strided_slice %transpose3A_76 {offsets = [0, 0], sizes = [96, 768], strides = [1, 1]} : vector<128x768xf32> to vector<96x768xf32>
    %swap3A_78 = arith.constant 0 : index
    %swap3A_79 = arith.constant 7 : index
    %swap3A_80 = arith.constant 0 : index
    %swap3A_81 = vector.load %arg2[%swap3A_78, %swap3A_79, %swap3A_80] : memref<96x8x768xf32, #tpu.memory_space<vmem>>, vector<96x1x768xf32>
    %swap3A_82 = vector.shape_cast %swap3A_81 : vector<96x1x768xf32> to vector<96x768xf32>
    %swap3A_83 = vector.shape_cast %slice3A_77 : vector<96x768xf32> to vector<96x1x768xf32>
    tpu.vector_store %arg2[%swap3A_78, %swap3A_79, %swap3A_80], %swap3A_83 {strides = array<i32>} : memref<96x8x768xf32, #tpu.memory_space<vmem>>, vector<96x1x768xf32>,
    return
  }
  func.func @transform_0(%arg0: i32) -> (i32, i32) {
    %c0_i32 = arith.constant 0 : i32
    %c0_i32_0 = arith.constant 0 : i32
    return %arg0, %c0_i32 : i32, i32
  }
  func.func @transform_1(%arg0: i32) -> (i32, i32, i32) {
    %c0_i32 = arith.constant 0 : i32
    %c0_i32_0 = arith.constant 0 : i32
    %c0_i32_1 = arith.constant 0 : i32
    return %c0_i32, %arg0, %c0_i32_0 : i32, i32, i32
  }
}

module attributes {stable_mosaic.version = 14 : i64} {
  func.func @_tc_body(%arg0: i32, %arg1: i32, %arg2: memref<1x96x8x384xf32, #tpu.memory_space<vmem>>, %arg3: memref<96x128xf32, #tpu.memory_space<vmem>>, %arg4: memref<1x3072x2xi32, #tpu.memory_space<vmem>>, %arg5: memref<3072x128xf32, #tpu.memory_space<vmem>>, %arg6: memref<24x128xi32, #tpu.memory_space<vmem>>) attributes {dimension_semantics = [#tpu.dimension_semantics<arbitrary>, #tpu.dimension_semantics<arbitrary>], iteration_bounds = array<i64: 48, 4>, scalar_prefetch = 0 : i64, scratch_operands = 0 : i64, tpu.core_type = #tpu.core_type<tc>, window_params = [{transform_indices = @transform_0, window_bounds = array<i64: 1, 96, 8, 384>}, {transform_indices = @transform_1, window_bounds = array<i64: 96, 128>}, {transform_indices = @transform_2, window_bounds = array<i64: 1, 3072, 2>}, {transform_indices = @transform_3, window_bounds = array<i64: 3072, 128>}, {transform_indices = @transform_4, window_bounds = array<i64: 24, 128>}]} {
    %get3A = arith.constant 0 : index
    %get3A_0 = arith.constant 0 : index
    %get3A_1 = vector.load %arg3[%get3A, %get3A_0] : memref<96x128xf32, #tpu.memory_space<vmem>>, vector<96x128xf32>
    %get3A_2 = arith.constant 0 : index
    %get3A_3 = arith.constant 0 : index
    %get3A_4 = arith.constant 0 : index
    %get3A_5 = arith.constant 0 : index
    %get3A_6 = vector.load %arg2[%get3A_2, %get3A_3, %get3A_4, %get3A_5] : memref<1x96x8x384xf32, #tpu.memory_space<vmem>>, vector<1x96x1x384xf32>
    %get3A_7 = vector.shape_cast %get3A_6 : vector<1x96x1x384xf32> to vector<96x384xf32>
    %dot_general3A = arith.constant dense<0.000000e+00> : vector<384x128xf32>
    %dot_general3A_8 = tpu.matmul %get3A_7, %get3A_1, %dot_general3A {dimension_numbers = #tpu.dot_dimension_numbers<[0], [0], [1], [1], [0, 1, 1, 1], [], []>, transpose_lhs_hint = false} : vector<96x384xf32>, vector<96x128xf32>, vector<384x128xf32> -> vector<384x128xf32>
    %swap3A = arith.constant 0 : index
    %swap3A_9 = arith.constant 0 : index
    %swap3A_10 = vector.load %arg5[%swap3A, %swap3A_9] : memref<3072x128xf32, #tpu.memory_space<vmem>>, vector<384x128xf32>
    tpu.vector_store %arg5[%swap3A, %swap3A_9], %dot_general3A_8 {strides = array<i32>} : memref<3072x128xf32, #tpu.memory_space<vmem>>, vector<384x128xf32>,
    %get3A_11 = arith.constant 0 : index
    %get3A_12 = arith.constant 0 : index
    %get3A_13 = arith.constant 1 : index
    %get3A_14 = arith.constant 0 : index
    %get3A_15 = vector.load %arg2[%get3A_11, %get3A_12, %get3A_13, %get3A_14] : memref<1x96x8x384xf32, #tpu.memory_space<vmem>>, vector<1x96x1x384xf32>
    %get3A_16 = vector.shape_cast %get3A_15 : vector<1x96x1x384xf32> to vector<96x384xf32>
    %dot_general3A_17 = arith.constant dense<0.000000e+00> : vector<384x128xf32>
    %dot_general3A_18 = tpu.matmul %get3A_16, %get3A_1, %dot_general3A_17 {dimension_numbers = #tpu.dot_dimension_numbers<[0], [0], [1], [1], [0, 1, 1, 1], [], []>, transpose_lhs_hint = false} : vector<96x384xf32>, vector<96x128xf32>, vector<384x128xf32> -> vector<384x128xf32>
    %swap3A_19 = arith.constant 384 : index
    %swap3A_20 = arith.constant 0 : index
    %swap3A_21 = vector.load %arg5[%swap3A_19, %swap3A_20] : memref<3072x128xf32, #tpu.memory_space<vmem>>, vector<384x128xf32>
    tpu.vector_store %arg5[%swap3A_19, %swap3A_20], %dot_general3A_18 {strides = array<i32>} : memref<3072x128xf32, #tpu.memory_space<vmem>>, vector<384x128xf32>,
    %get3A_22 = arith.constant 0 : index
    %get3A_23 = arith.constant 0 : index
    %get3A_24 = arith.constant 2 : index
    %get3A_25 = arith.constant 0 : index
    %get3A_26 = vector.load %arg2[%get3A_22, %get3A_23, %get3A_24, %get3A_25] : memref<1x96x8x384xf32, #tpu.memory_space<vmem>>, vector<1x96x1x384xf32>
    %get3A_27 = vector.shape_cast %get3A_26 : vector<1x96x1x384xf32> to vector<96x384xf32>
    %dot_general3A_28 = arith.constant dense<0.000000e+00> : vector<384x128xf32>
    %dot_general3A_29 = tpu.matmul %get3A_27, %get3A_1, %dot_general3A_28 {dimension_numbers = #tpu.dot_dimension_numbers<[0], [0], [1], [1], [0, 1, 1, 1], [], []>, transpose_lhs_hint = false} : vector<96x384xf32>, vector<96x128xf32>, vector<384x128xf32> -> vector<384x128xf32>
    %swap3A_30 = arith.constant 768 : index
    %swap3A_31 = arith.constant 0 : index
    %swap3A_32 = vector.load %arg5[%swap3A_30, %swap3A_31] : memref<3072x128xf32, #tpu.memory_space<vmem>>, vector<384x128xf32>
    tpu.vector_store %arg5[%swap3A_30, %swap3A_31], %dot_general3A_29 {strides = array<i32>} : memref<3072x128xf32, #tpu.memory_space<vmem>>, vector<384x128xf32>,
    %get3A_33 = arith.constant 0 : index
    %get3A_34 = arith.constant 0 : index
    %get3A_35 = arith.constant 3 : index
    %get3A_36 = arith.constant 0 : index
    %get3A_37 = vector.load %arg2[%get3A_33, %get3A_34, %get3A_35, %get3A_36] : memref<1x96x8x384xf32, #tpu.memory_space<vmem>>, vector<1x96x1x384xf32>
    %get3A_38 = vector.shape_cast %get3A_37 : vector<1x96x1x384xf32> to vector<96x384xf32>
    %dot_general3A_39 = arith.constant dense<0.000000e+00> : vector<384x128xf32>
    %dot_general3A_40 = tpu.matmul %get3A_38, %get3A_1, %dot_general3A_39 {dimension_numbers = #tpu.dot_dimension_numbers<[0], [0], [1], [1], [0, 1, 1, 1], [], []>, transpose_lhs_hint = false} : vector<96x384xf32>, vector<96x128xf32>, vector<384x128xf32> -> vector<384x128xf32>
    %swap3A_41 = arith.constant 1152 : index
    %swap3A_42 = arith.constant 0 : index
    %swap3A_43 = vector.load %arg5[%swap3A_41, %swap3A_42] : memref<3072x128xf32, #tpu.memory_space<vmem>>, vector<384x128xf32>
    tpu.vector_store %arg5[%swap3A_41, %swap3A_42], %dot_general3A_40 {strides = array<i32>} : memref<3072x128xf32, #tpu.memory_space<vmem>>, vector<384x128xf32>,
    %get3A_44 = arith.constant 0 : index
    %get3A_45 = arith.constant 0 : index
    %get3A_46 = arith.constant 4 : index
    %get3A_47 = arith.constant 0 : index
    %get3A_48 = vector.load %arg2[%get3A_44, %get3A_45, %get3A_46, %get3A_47] : memref<1x96x8x384xf32, #tpu.memory_space<vmem>>, vector<1x96x1x384xf32>
    %get3A_49 = vector.shape_cast %get3A_48 : vector<1x96x1x384xf32> to vector<96x384xf32>
    %dot_general3A_50 = arith.constant dense<0.000000e+00> : vector<384x128xf32>
    %dot_general3A_51 = tpu.matmul %get3A_49, %get3A_1, %dot_general3A_50 {dimension_numbers = #tpu.dot_dimension_numbers<[0], [0], [1], [1], [0, 1, 1, 1], [], []>, transpose_lhs_hint = false} : vector<96x384xf32>, vector<96x128xf32>, vector<384x128xf32> -> vector<384x128xf32>
    %swap3A_52 = arith.constant 1536 : index
    %swap3A_53 = arith.constant 0 : index
    %swap3A_54 = vector.load %arg5[%swap3A_52, %swap3A_53] : memref<3072x128xf32, #tpu.memory_space<vmem>>, vector<384x128xf32>
    tpu.vector_store %arg5[%swap3A_52, %swap3A_53], %dot_general3A_51 {strides = array<i32>} : memref<3072x128xf32, #tpu.memory_space<vmem>>, vector<384x128xf32>,
    %get3A_55 = arith.constant 0 : index
    %get3A_56 = arith.constant 0 : index
    %get3A_57 = arith.constant 5 : index
    %get3A_58 = arith.constant 0 : index
    %get3A_59 = vector.load %arg2[%get3A_55, %get3A_56, %get3A_57, %get3A_58] : memref<1x96x8x384xf32, #tpu.memory_space<vmem>>, vector<1x96x1x384xf32>
    %get3A_60 = vector.shape_cast %get3A_59 : vector<1x96x1x384xf32> to vector<96x384xf32>
    %dot_general3A_61 = arith.constant dense<0.000000e+00> : vector<384x128xf32>
    %dot_general3A_62 = tpu.matmul %get3A_60, %get3A_1, %dot_general3A_61 {dimension_numbers = #tpu.dot_dimension_numbers<[0], [0], [1], [1], [0, 1, 1, 1], [], []>, transpose_lhs_hint = false} : vector<96x384xf32>, vector<96x128xf32>, vector<384x128xf32> -> vector<384x128xf32>
    %swap3A_63 = arith.constant 1920 : index
    %swap3A_64 = arith.constant 0 : index
    %swap3A_65 = vector.load %arg5[%swap3A_63, %swap3A_64] : memref<3072x128xf32, #tpu.memory_space<vmem>>, vector<384x128xf32>
    tpu.vector_store %arg5[%swap3A_63, %swap3A_64], %dot_general3A_62 {strides = array<i32>} : memref<3072x128xf32, #tpu.memory_space<vmem>>, vector<384x128xf32>,
    %get3A_66 = arith.constant 0 : index
    %get3A_67 = arith.constant 0 : index
    %get3A_68 = arith.constant 6 : index
    %get3A_69 = arith.constant 0 : index
    %get3A_70 = vector.load %arg2[%get3A_66, %get3A_67, %get3A_68, %get3A_69] : memref<1x96x8x384xf32, #tpu.memory_space<vmem>>, vector<1x96x1x384xf32>
    %get3A_71 = vector.shape_cast %get3A_70 : vector<1x96x1x384xf32> to vector<96x384xf32>
    %dot_general3A_72 = arith.constant dense<0.000000e+00> : vector<384x128xf32>
    %dot_general3A_73 = tpu.matmul %get3A_71, %get3A_1, %dot_general3A_72 {dimension_numbers = #tpu.dot_dimension_numbers<[0], [0], [1], [1], [0, 1, 1, 1], [], []>, transpose_lhs_hint = false} : vector<96x384xf32>, vector<96x128xf32>, vector<384x128xf32> -> vector<384x128xf32>
    %swap3A_74 = arith.constant 2304 : index
    %swap3A_75 = arith.constant 0 : index
    %swap3A_76 = vector.load %arg5[%swap3A_74, %swap3A_75] : memref<3072x128xf32, #tpu.memory_space<vmem>>, vector<384x128xf32>
    tpu.vector_store %arg5[%swap3A_74, %swap3A_75], %dot_general3A_73 {strides = array<i32>} : memref<3072x128xf32, #tpu.memory_space<vmem>>, vector<384x128xf32>,
    %get3A_77 = arith.constant 0 : index
    %get3A_78 = arith.constant 0 : index
    %get3A_79 = arith.constant 7 : index
    %get3A_80 = arith.constant 0 : index
    %get3A_81 = vector.load %arg2[%get3A_77, %get3A_78, %get3A_79, %get3A_80] : memref<1x96x8x384xf32, #tpu.memory_space<vmem>>, vector<1x96x1x384xf32>
    %get3A_82 = vector.shape_cast %get3A_81 : vector<1x96x1x384xf32> to vector<96x384xf32>
    %dot_general3A_83 = arith.constant dense<0.000000e+00> : vector<384x128xf32>
    %dot_general3A_84 = tpu.matmul %get3A_82, %get3A_1, %dot_general3A_83 {dimension_numbers = #tpu.dot_dimension_numbers<[0], [0], [1], [1], [0, 1, 1, 1], [], []>, transpose_lhs_hint = false} : vector<96x384xf32>, vector<96x128xf32>, vector<384x128xf32> -> vector<384x128xf32>
    %swap3A_85 = arith.constant 2688 : index
    %swap3A_86 = arith.constant 0 : index
    %swap3A_87 = vector.load %arg5[%swap3A_85, %swap3A_86] : memref<3072x128xf32, #tpu.memory_space<vmem>>, vector<384x128xf32>
    tpu.vector_store %arg5[%swap3A_85, %swap3A_86], %dot_general3A_84 {strides = array<i32>} : memref<3072x128xf32, #tpu.memory_space<vmem>>, vector<384x128xf32>,
    %get3A_88 = arith.constant 0 : index
    %get3A_89 = arith.constant 0 : index
    %get3A_90 = arith.constant 0 : index
    %get3A_91 = vector.load %arg4[%get3A_88, %get3A_89, %get3A_90] : memref<1x3072x2xi32, #tpu.memory_space<vmem>>, vector<1x3072x2xi32>
    %get3A_92 = vector.shape_cast %get3A_91 : vector<1x3072x2xi32> to vector<3072x2xi32>
    %slice3A = vector.extract_strided_slice %get3A_92 {offsets = [0, 1], sizes = [3072, 1], strides = [1, 1]} : vector<3072x2xi32> to vector<3072x1xi32>
    %squeeze3A = vector.shape_cast %slice3A : vector<3072x1xi32> to vector<3072xi32>
    %mul3A = arith.constant 768 : i32
    %mul3A_93 = vector.broadcast %mul3A : i32 to vector<3072xi32>
    %mul3A_94 = arith.muli %squeeze3A, %mul3A_93 : vector<3072xi32>
    %slice3A_95 = vector.extract_strided_slice %get3A_92 {offsets = [0, 0], sizes = [3072, 1], strides = [1, 1]} : vector<3072x2xi32> to vector<3072x1xi32>
    %squeeze3A_96 = vector.shape_cast %slice3A_95 : vector<3072x1xi32> to vector<3072xi32>
    %add3A = arith.addi %mul3A_94, %squeeze3A_96 : vector<3072xi32>
    %reshape3A = vector.shape_cast %add3A : vector<3072xi32> to vector<24x128xi32>
    %swap3A_97 = arith.constant 0 : index
    %swap3A_98 = arith.constant 0 : index
    %swap3A_99 = vector.load %arg6[%swap3A_97, %swap3A_98] : memref<24x128xi32, #tpu.memory_space<vmem>>, vector<24x128xi32>
    tpu.vector_store %arg6[%swap3A_97, %swap3A_98], %reshape3A {strides = array<i32>} : memref<24x128xi32, #tpu.memory_space<vmem>>, vector<24x128xi32>,
    return
  }
  func.func @transform_0(%arg0: i32, %arg1: i32) -> (i32, i32, i32, i32) {
    %c0_i32 = arith.constant 0 : i32
    %c0_i32_0 = arith.constant 0 : i32
    %c0_i32_1 = arith.constant 0 : i32
    %c0_i32_2 = arith.constant 0 : i32
    return %c0_i32, %c0_i32_0, %arg0, %c0_i32_1 : i32, i32, i32, i32
  }
  func.func @transform_1(%arg0: i32, %arg1: i32) -> (i32, i32) {
    %c0_i32 = arith.constant 0 : i32
    %c0_i32_0 = arith.constant 0 : i32
    return %c0_i32, %arg1 : i32, i32
  }
  func.func @transform_2(%arg0: i32, %arg1: i32) -> (i32, i32, i32) {
    %c0_i32 = arith.constant 0 : i32
    %c0_i32_0 = arith.constant 0 : i32
    return %arg1, %arg0, %c0_i32 : i32, i32, i32
  }
  func.func @transform_3(%arg0: i32, %arg1: i32) -> (i32, i32) {
    %mul3A = arith.constant 48 : i32
    %mul3A_0 = arith.muli %arg1, %mul3A : i32
    %add3A = arith.addi %mul3A_0, %arg0 : i32
    %c0_i32 = arith.constant 0 : i32
    %c0_i32_1 = arith.constant 0 : i32
    return %add3A, %c0_i32 : i32, i32
  }
  func.func @transform_4(%arg0: i32, %arg1: i32) -> (i32, i32) {
    %mul3A = arith.constant 48 : i32
    %mul3A_0 = arith.muli %arg1, %mul3A : i32
    %add3A = arith.addi %mul3A_0, %arg0 : i32
    %c0_i32 = arith.constant 0 : i32
    %c0_i32_1 = arith.constant 0 : i32
    return %add3A, %c0_i32 : i32, i32
  }
}

</mosaic_0001>

<sc_bundles>
// kernel: kernel.5.cloned.1.call-start
scs
__scs_entry_jumppad:
0x0: {  	(pc) =	sbr.rel $0x88, $3  }
0x1: {  	(tag) =	ssettag $0x0;
	lr =	simm.s32 $0x1  }
0x2: {  	[smem:$0x3F9D] =	sst lr;
	_ =	strace $0xD0000000  }
0x3: {  	_ = 	snop  }
0x4: {  	_ = 	snop  }
0x5: {  	_ = 	snop  }
0x6: {  	_ = 	snop  }
0x7: {  	_ = 	snop  }
__scs_overlays_trampoline_lowered:
0x8: {  	[smem:$0x3FAC] =	sst s0  }
0x9: {  	[smem:$0x3FAD] =	sst s1  }
0xa: {  	[smem:$0x3FAE] =	sst s2  }
0xb: {  	[smem:$0x3FAF] =	sst s3  }
0xc: {  	[smem:$0x3FB0] =	sst s4  }
0xd: {  	[smem:$0x3FB1] =	sst s5  }
0xe: {  	[smem:$0x3FB2] =	sst s6  }
0xf: {  	[smem:$0x3FB3] =	sst s7  }
0x10: {  	[smem:$0x3FB4] =	sst s8  }
0x11: {  	[smem:$0x3FB5] =	sst s9;
	s0 =	simm.s32 @!p0 $0x0  }
0x12: {  	s1 =	sld [smem:$0x3F9B];
	s0 =	simm.s32 @p0 $0x1  }
0x13: {  	[smem:$0x3FB6] =	sst s0;
	s0 =	simm.s32 @!p1 $0x0  }
0x14: {  	s2 =	sld [smem:$0x3F9A];
	s0 =	simm.s32 @p1 $0x1  }
0x15: {  	[smem:$0x3FB7] =	sst s0;
	s0 =	simm.s32 @!p2 $0x0  }
0x16: {  	s3 =	sld [smem:$0x3FDB];
	s0 =	simm.s32 @p2 $0x1  }
0x17: {  	s4 =	simm.s32 $0x1BF5;
	[smem:$0x3FB9] =	sst s0  }
0x18: {  	s0 =	sld [smem:$0x3F9C];
	_ =	swait.ge [sflag:s4], $0x0  }
0x19: {  	s7 =	sld [smem:$0x3F9D]  }
0x1a: {  	s8 =	sadd.s32 $0xFFFFE003, lr  }
0x1b: {  	s9 =	sadd.s32 $0xFFFFFEF7, lr;
	s5 =	simm.s32 $0xFFFFFFFF;
	p2 =	slt.u32 s8, $0xFFFFF086  }
0x1c: {  	p1 =	slt.u32 s9, $0xF7A;
	s5 =	simm.s32 @!p2 $0x0  }
0x1d: {  	s5 =	simm.s32 @p1 $0x1;
	p0 =	seq.s32 s7, s2  }
0x1e: {  	s7 =	smul.u32 @!p0 $0xF7A, s2;
	p2 =	seq.s32 @!p0 s5, $0x0  }
0x1f: {  	s9 =	smul.u32 $0xF7A, s1;
	s8 =	simm.s32 @!p0 $0x1BF5;
	p2 =	por !p2, p0  }
0x20: {  	[sflag:s8] =	ssyncset.s32 @!p0 $0xFFFFF086;
	s6 =	sadd.s32 @!p0 s3, s7;
	s7 =	simm.s32 @!p0 $0x108  }
0x21: {  	s3 =	sadd.s32 s3, s9;
	s6 =	sadd.s32 @!p0 $0x88, s6;
	s7 =	simm.s32 @p2 $0x1082  }
0x22: {  	[simem:s7], [sflag:s8] =	dma.local @!p0 [hbm:s6], $0xF7A  }
0x23: {  	s9 =	sor.u32 $0xD0000000, s2;
	s6 =	simm.s32 $0x108;
	_ =	swait.ge @!p0 [sflag:s8], $0x0  }
0x24: {  	s3 =	sadd.s32 $0x88, s3;
	s6 =	simm.s32 @!p1 $0x1082;
	[sflag:s4] =	ssyncset.s32 $0xFFFFF086  }
0x25: {  	[simem:s6], [sflag:s4] =	dma.local [hbm:s3], $0xF7A  }
0x26: {  	[smem:$0x3F9D] =	sst s1;
	(tag) =	ssettag s2;
	_ =	strace s9  }
0x27: {  	s1 =	sld [smem:$0x3FAD]  }
0x28: {  	s2 =	sld [smem:$0x3FAE]  }
0x29: {  	s4 =	sld [smem:$0x3FB0]  }
0x2a: {  	p0 =	seq.s32 s5, $0x0;
	s5 =	sld [smem:$0x3FB1]  }
0x2b: {  	s6 =	sld [smem:$0x3FB2]  }
0x2c: {  	s7 =	sld [smem:$0x3FB3]  }
0x2d: {  	s3 =	simm.s32 $0x108;
	s8 =	sld [smem:$0x3FB4]  }
0x2e: {  	s3 =	simm.s32 @!p0 $0x1082;
	s9 =	sld [smem:$0x3FB5]  }
0x2f: {  	lr =	sadd.s32 s0, s3;
	s0 =	sld [smem:$0x3FAC]  }
0x30: {  	s3 =	sld [smem:$0x3FAF]  }
0x31: {  	[smem:$0x3FB8] =	sst s10  }
0x32: {  	s10 =	sld [smem:$0x3FB6];
	_ =	sdelay $0x3  }
0x33: {  	p0 =	seq.s32 s10, $0x1;
	s10 =	sld [smem:$0x3FB8];
	_ =	sdelay $0x3  }
0x34: {  	[smem:$0x3FB8] =	sst s10  }
0x35: {  	s10 =	sld [smem:$0x3FB7];
	_ =	sdelay $0x3  }
0x36: {  	p1 =	seq.s32 s10, $0x1;
	s10 =	sld [smem:$0x3FB8];
	_ =	sdelay $0x3  }
0x37: {  	[smem:$0x3FB8] =	sst s10  }
0x38: {  	s10 =	sld [smem:$0x3FB9]  }
0x39: {  	_ = 	snop;
	(pc) =	sbr.ind lr, $3  }
0x3a: {  	_ = 	snop  }
0x3b: {  	_ = 	snop  }
0x3c: {  	p2 =	seq.s32 s10, $0x1;
	s10 =	sld [smem:$0x3FB8]  }
0x3d: {  	_ =	shalt  }
0x3e: {  	_ =	shalt  }
0x3f: {  	_ =	shalt  }
0x40: {  	_ =	shalt  }
0x41: {  	_ =	shalt  }
0x42: {  	_ =	shalt  }
0x43: {  	_ =	shalt  }
0x44: {  	_ =	shalt  }
0x45: {  	_ =	shalt  }
0x46: {  	_ =	shalt  }
0x47: {  	_ =	shalt  }
0x48: {  	_ =	shalt  }
0x49: {  	_ =	shalt  }
0x4a: {  	_ =	shalt  }
0x4b: {  	_ =	shalt  }
0x4c: {  	_ =	shalt  }
0x4d: {  	_ =	shalt  }
0x4e: {  	_ =	shalt  }
0x4f: {  	_ =	shalt  }
0x50: {  	_ =	shalt  }
0x51: {  	_ =	shalt  }
0x52: {  	_ =	shalt  }
0x53: {  	_ =	shalt  }
0x54: {  	_ =	shalt  }
0x55: {  	_ =	shalt  }
0x56: {  	_ =	shalt  }
0x57: {  	_ =	shalt  }
0x58: {  	_ =	shalt  }
0x59: {  	_ =	shalt  }
0x5a: {  	_ =	shalt  }
0x5b: {  	_ =	shalt  }
0x5c: {  	_ =	shalt  }
0x5d: {  	_ =	shalt  }
0x5e: {  	_ =	shalt  }
0x5f: {  	_ =	shalt  }
0x60: {  	_ =	shalt  }
0x61: {  	_ =	shalt  }
0x62: {  	_ =	shalt  }
0x63: {  	_ =	shalt  }
0x64: {  	_ =	shalt  }
0x65: {  	_ =	shalt  }
0x66: {  	_ =	shalt  }
0x67: {  	_ =	shalt  }
0x68: {  	_ =	shalt  }
0x69: {  	_ =	shalt  }
0x6a: {  	_ =	shalt  }
0x6b: {  	_ =	shalt  }
0x6c: {  	_ =	shalt  }
0x6d: {  	_ =	shalt  }
0x6e: {  	_ =	shalt  }
0x6f: {  	_ =	shalt  }
0x70: {  	_ =	shalt  }
0x71: {  	_ =	shalt  }
0x72: {  	_ =	shalt  }
0x73: {  	_ =	shalt  }
0x74: {  	_ =	shalt  }
0x75: {  	_ =	shalt  }
0x76: {  	_ =	shalt  }
0x77: {  	_ =	shalt  }
0x78: {  	_ =	shalt  }
0x79: {  	_ =	shalt  }
0x7a: {  	_ =	shalt  }
0x7b: {  	_ =	shalt  }
0x7c: {  	_ =	shalt  }
0x7d: {  	_ =	shalt  }
0x7e: {  	_ =	shalt  }
0x7f: {  	_ =	shalt  }
0x80: {  	_ =	shalt  }
0x81: {  	_ =	shalt  }
0x82: {  	_ =	shalt  }
0x83: {  	_ =	shalt  }
0x84: {  	_ =	shalt  }
0x85: {  	_ =	shalt  }
0x86: {  	_ =	shalt  }
0x87: {  	_ =	shalt  }
.Lfunc_end0:
.L_simem_size_0:
called_computation_lowered:
.L_overlay_start_0:
0x88: {  	s2 =	sld [smem:$0x3FD9]  }
0x89: {  	s3 =	sld [smem:$0x3FFE];
	_ =	sdelay $0x1  }
0x8a: {  	s1 =	srdreg.scid  }
0x8b: {  	s0 =	sand.u32 $0x1, s1  }
0x8c: {  	s17 =	sshll.u32 s0, $0xA;
	s2 =	sadd.s32 s3, s2  }
0x8d: {  	s2 =	sadd.s32 s2, s17  }
0x8e: {  	[smem:$0x3FC4] =	sst s2  }
0x8f: {  	_ = 	snop  }
0x90: {  	s2 =	sld [smem:$0x3FD0];
	(tm) =	ssettm $0x1  }
0x91: {  	s18 =	sld [smem:$0x3FFB];
	_ =	sdelay $0x3  }
0x92: {  	_ =	strace s18  }
0x93: {  	s3 =	sld [smem:$0x3FFC];
	_ =	sdelay $0x3  }
0x94: {  	_ =	strace s3  }
0x95: {  	s3 =	sld [smem:$0x3FFD];
	_ =	sdelay $0x3  }
0x96: {  	_ =	strace s3  }
0x97: {  	_ =	strace $0x8FFFFFFF  }
0x98: {  	s19 =	sld [smem:$0x3FDB];
	_ =	sdelay $0x1  }
0x99: {  	s4 =	simm.s32 $_scs_section_size  }
0x9a: {  	s5 =	simm.s32 $_size__tile_overlayer_lowered;
	s6 =	simm.s32 $_tile_overlayer_lowered  }
0x9b: {  	s22 =	simm.s32 $0x1BFF;
	s21 =	sshll.u32 s6, $0x1;
	s3 =	sadd.s32 s4, s19  }
0x9c: {  	s7 =	simm.s32 $0x0;
	s20 =	sshll.u32 s5, $0x1;
	s5 =	sadd.s32 s21, s3  }
0x9d: {  	[timem:s7], [sflag:s22] =	dma.local [hbm:s5], s20  }
0x9e: {  	_ =	swait.ge [sflag:s22], s20  }
0x9f: {  	s4 =	ssub.s32 $0x0, s20;
	[sflag:s22] =	ssyncset.done $0x0  }
0xa0: {  	[sflag:s22] =	ssyncadd.s32 s4;
	_ =	sdelay $0x1  }
0xa1: {  	s23 =	simm.s32 $0x1B8B  }
0xa2: {  	_ =	swait.ge [sflag:s23], $0x1  }
0xa3: {  	[sflag:s23] =	ssyncset.done $0x0  }
0xa4: {  	s25 =	simm.s32 $0x1B8E;
	s24 =	sld [smem:$0x3FFE];
	[sflag:s23] =	ssyncadd.s32 $0xFFFFFFFF  }
0xa5: {  	s26 =	simm.s32 $execute0_lowered;
	[smem:$0x3FD2] =	sst s25  }
0xa6: {  	s5 =	sshll.u32 s26, $0x1;
	_ =	strace $0x80000046;
	[dreg:$0x1] =	wrdreg $0xFFFFFFFF  }
0xa7: {  	s28 =	simm.s32 $_size_execute0_lowered;
	s3 =	sadd.s32 s3, s5;
	[dreg:$0x0] =	wrdreg $0x0  }
0xa8: {  	s5 =	sshll.u32 s28, $0x1;
	[dreg:$0x2] =	wrdreg s3  }
0xa9: {  	[dreg:$0x3] =	wrdreg s5  }
0xaa: {  	[dreg:$0x4] =	wrdreg $0xC0  }
0xab: {  	_ =	task [dreg:s7], $0x5FFFF  }
0xac: {  	[dreg:$0x1] =	wrdreg $0xFFFFFFFF  }
0xad: {  	[dreg:$0x0] =	wrdreg $0x60  }
0xae: {  	[dreg:$0x2] =	wrdreg s24  }
0xaf: {  	[dreg:$0x3] =	wrdreg s2  }
0xb0: {  	[dreg:$0x4] =	wrdreg $0x0  }
0xb1: {  	[dreg:$0x5] =	wrdreg $0x9  }
0xb2: {  	_ =	task.clear_ibuf [dreg:s7], $0x6FFFF;
	_ =	strace $0x90000046  }
0xb3: {  	s29 =	simm.s32 $0x9;
	_ =	strace $0x80000048  }
0xb4: {  	_ =	swait.ge [sflag:s29], $0x1  }
0xb5: {  	[sflag:s29] =	ssyncadd.s32 $0xFFFFFFFF  }
0xb6: {  	_ =	strace $0x90000048  }
0xb7: {  	_ =	sfence  }
0xb8: {  	s30 =	sld [smem:$0x0];
	_ =	sdelay $0x2  }
0xb9: {  	s31 =	sshll.u32 s1, $0xD;
	s1 =	sshrl.u32 s1, $0x2  }
0xba: {  	s3 =	sand.u32 $0x4000, s31;
	s1 =	sadd.s32 s1, s30  }
0xbb: {  	s0 =	sor.u32 s3, s0;
	s1 =	sshll.u32 s1, $0x11  }
0xbc: {  	s0 =	sor.u32 s1, s0  }
0xbd: {  	s0 =	sadd.s32 $0x8F2B, s0  }
0xbe: {  	[sflag:s0] =	ssyncadd.remote.s32 $0x1  }
0xbf: {  	_ =	sfence.sel $0xFFFF  }
0xc0: {  	[dreg:$0x0] =	wrdreg $0xFFFFFFFF;
	(pc) =	sbr.abs _section_cstart, $3  }
0xc1: {  	[dreg:$0x1] =	wrdreg $0xFFFFFFFF  }
0xc2: {  	_ =	task.clear_ibuf [dreg:s7], $0x2FFFF;
	_ =	strace $0x9FFFFFFF  }
0xc3: {  	(tm) =	ssettm $0x7FFFFFFF  }
tec
execute0_lowered:
.L_overlay_start_1:
0x0: {  	(tag) =	ssettag $0x1  }
0x1: {  	s0 =	rddreg [dreg:$0x0]  }
0x2: {  	s2 =	rddreg [dreg:$0x1]  }
0x3: {  	s1 =	rddreg [dreg:$0x2];
	s3 =	simm.s32 $0x0  }
0x4: {  	s26 =	srdreg.scid;
	[smem:$0x7FF] =	sst s3;
	s5 =	sadd.s32 $0xC00, s0  }
0x5: {  	s6 =	sadd.s32 $0x1200C00, s0;
	_ =	strace $0x80000047;
	[dreg:$0x4] =	wrdreg s5  }
0x6: {  	s28 =	sand.u32 $0x1, s26;
	[dreg:$0x6] =	wrdreg s6  }
0x7: {  	s13 =	sadd.s32 $0x1201C00, s0;
	[dreg:$0x5] =	wrdreg s28  }
0x8: {  	s9 =	stileid.u32;
	s14 =	sadd.s32 $0x1202400, s0;
	[dreg:$0xc] =	wrdreg s13  }
0x9: {  	s4 =	sadd.s32 $0x900C00, s0;
	s15 =	sadd.s32 $0x1202800, s0;
	[dreg:$0xe] =	wrdreg s14  }
0xa: {  	s29 =	smul.u32 $0x60000, s9;
	s16 =	sadd.s32 $0x1202000, s0;
	[dreg:$0xf] =	wrdreg s15  }
0xb: {  	s31 =	smul.u32 $0x1200, s9;
	s17 =	sadd.s32 $0x1202C00, s0;
	[dreg:$0x10] =	wrdreg s16  }
0xc: {  	s8 =	smul.u32 $0x9000, s9;
	s18 =	sadd.s32 $0x1203000, s0;
	[dreg:$0x11] =	wrdreg s17  }
0xd: {  	s9 =	smul.u32 $0x300, s9;
	s20 =	sadd.s32 $0x1203400, s0;
	[dreg:$0x12] =	wrdreg s18  }
0xe: {  	s0 =	sadd.s32 $0x1203800, s0;
	s5 =	ssub.s32 $0x2, s28;
	[dreg:$0x14] =	wrdreg s20  }
0xf: {  	[dreg:$0x15] =	wrdreg s0;
	s7 =	sshrl.u32 s5, $0x1  }
0x10: {  	s3 =	sshrl.u32 s29, $0x2;
	[dreg:$0x7] =	wrdreg s9;
	s2 =	sadd.s32 s2, s31  }
0x11: {  	s5 =	ssub.s32 s5, s7;
	s7 =	sadd.s32 s3, s1;
	[dreg:$0xd] =	wrdreg s2  }
0x12: {  	s10 =	sadd.s32 $0x1000, s7;
	[smem:$0x7FC] =	sst s7  }
0x13: {  	s11 =	sadd.s32 $0x3000, s7;
	[dreg:$0x8] =	wrdreg s10  }
0x14: {  	s12 =	sadd.s32 $0x5000, s7;
	[dreg:$0x9] =	wrdreg s11  }
0x15: {  	s19 =	smax.u32 s5, $0x1;
	[dreg:$0xb] =	wrdreg s12  }
0x16: {  	s21 =	sadd.s32 $0x7000, s7;
	[dreg:$0x13] =	wrdreg s19  }
0x17: {  	s22 =	sadd.s32 $0x9000, s7;
	[dreg:$0x17] =	wrdreg s21  }
0x18: {  	s23 =	sadd.s32 $0xB000, s7;
	[dreg:$0x19] =	wrdreg s22  }
0x19: {  	s24 =	sadd.s32 $0xD000, s7;
	[dreg:$0x1b] =	wrdreg s23  }
0x1a: {  	s25 =	sadd.s32 $0xF000, s7;
	[dreg:$0x1d] =	wrdreg s24  }
0x1b: {  	s26 =	sadd.s32 $0x11000, s7;
	[dreg:$0x1f] =	wrdreg s25  }
0x1c: {  	s28 =	sadd.s32 $0x13000, s7;
	[smem:$0x7F6] =	sst s26  }
0x1d: {  	s29 =	sadd.s32 $0x15000, s7;
	[smem:$0x7F7] =	sst s28  }
0x1e: {  	s31 =	sadd.s32 $0x17000, s7;
	[smem:$0x7F8] =	sst s29  }
0x1f: {  	s30 =	simm.s32 $0x0;
	s6 =	sadd.s32 $0x6000, s7;
	[smem:$0x7F9] =	sst s31  }
0x20: {  	s20 =	simm.s32 $0x2;
	s14 =	sadd.s32 $0xC000, s7;
	[dreg:$0x16] =	wrdreg s6  }
0x21: {  	s18 =	sadd.s32 $0x100, s2;
	s15 =	sadd.s32 $0xE000, s7;
	[dreg:$0x1c] =	wrdreg s14  }
0x22: {  	s2 =	simm.s32 $0x0;
	s17 =	sadd.s32 $0x10000, s7;
	[dreg:$0x1e] =	wrdreg s15  }
0x23: {  	s9 =	sadd.s32 $0x2000, s7;
	s5 =	sadd.s32 $0x16000, s7;
	[smem:$0x7FA] =	sst s17  }
.Ltmp0:
0x24: {  	s10 =	sadd.s32 $0x4000, s7;
	[smem:$0x7FB] =	sst s9;
	(pc) =	sbr.rel .LBB2_1-.Ltmp0, $4  }
0x25: {  	s11 =	sadd.s32 $0x8000, s7;
	s12 =	sadd.s32 $0xA000, s7;
	[smem:$0x7FD] =	sst s5  }
0x26: {  	s23 =	sadd.s32 $0x12000, s7;
	s26 =	sadd.s32 $0x14000, s7;
	[dreg:$0xa] =	wrdreg s10  }
0x27: {  	s19 =	simm.s32 $0x1E380;
	s21 =	simm.s32 $0x19080;
	[dreg:$0x18] =	wrdreg s11  }
0x28: {  	v0 =	vlaneseq.u32;
	v1 =	vimm.s32 $0x0;
	v2 =	vimm.s32 $0x3000;
	s22 =	simm.s32 $0x19900;
	s24 =	simm.s32 $0x40;
	[dreg:$0x1a] =	wrdreg s12  }
.LBB2_16:
0x29: {  	s2 =	sld [smem:$0x7F5];
	_ =	sdelay $0x2  }
0x2a: {  	s0 =	rddreg [dreg:$0x13];
	s2 =	sadd.s32 $0x1, s2  }
0x2b: {  	p0 =	sne.s32 s2, s0  }
.Ltmp1:
0x2c: {  	_ = 	snop;
	(pc) =	sbr.rel @!p0 .LBB2_17-.Ltmp1, $1  }
0x2d: {  	_ =	sdelay $0x3  }
.LBB2_1:
0x2e: {  	[smem:$0x7F5] =	sst s2;
	s0 =	simm.s32 $0x0  }
.Ltmp2:
0x2f: {  	s29 =	rddreg [dreg:$0x4];
	s31 =	simm.s32 $0x3;
	(pc) =	sbr.rel .LBB2_2-.Ltmp2, $4  }
0x30: {  	[tilespmem:s19], [sflag:$0x3] =	stream.linear.gather [hbm4b:s29+s0], $0x1000, $0x38;
	[tilespmem:$0x1F380] =	vst v63  }
0x31: {  	_ =	swait.ge [sflag:s31], $0x1000  }
0x32: {  	[sflag:s31] =	ssyncset.done $0x0  }
0x33: {  	s25 =	simm.s32 $0x0;
	[sflag:s31] =	ssyncadd.s32 $0xFFFFF000  }
.LBB2_11:
0x34: {  	s23 =	smov.u32 s16;
	s26 =	smov.u32 s13  }
.LBB2_15:
0x35: {  	p0 =	slt.s32 s15, $0x1  }
0x36: {  	s0 =	sadd.s32 @!p0 $0x1, s15  }
0x37: {  	s2 =	sshrl.u32 @!p0 s0, $0x1F  }
0x38: {  	s2 =	sadd.s32 @!p0 s2, s0  }
0x39: {  	s3 =	simm.s32 @!p0 $0x1;
	s2 =	sand.u32 @!p0 $0xFFFFFFFE, s2  }
0x3a: {  	_ =	swait.ge @!p0 [sflag:s3], $0x2000;
	s0 =	ssub.s32 @!p0 s0, s2  }
0x3b: {  	[sflag:s3] =	ssyncset.done @!p0 $0x0;
	s2 =	sshll.u32 @!p0 s0, $0xF;
	s0 =	sshll.u32 @!p0 s0, $0x9  }
0x3c: {  	[sflag:s3] =	ssyncadd.s32 @!p0 $0xFFFFE000;
	s2 =	sshra.s32 @!p0 s2, $0x2;
	s0 =	sshra.s32 @!p0 s0, $0x2  }
0x3d: {  	s3 =	simm.s32 @!p0 $0x40;
	s2 =	sadd.s32 @!p0 $0x1A380, s2;
	s0 =	sadd.s32 @!p0 $0x1A180, s0  }
0x3e: {  	[spmem:s1] =	stream.indirect.scatter.add.f32 @!p0 [tilespmem:s2], [sflag:$0x3], $0x80, s0, s3, $0xb8;
	[tilespmem:$0x1F380] =	vst v63  }
0x3f: {  	s0 =	simm.s32 @!p0 $0x3  }
0x40: {  	_ =	swait.ge @!p0 [sflag:s0], $0x2000  }
0x41: {  	[sflag:s0] =	ssyncset.done @!p0 $0x0  }
0x42: {  	[sflag:s0] =	ssyncadd.s32 @!p0 $0xFFFFE000  }
0x43: {  	s11 =	rddreg [dreg:$0x7];
	[bflag:$0x0] =	sbarrier.arrive $0xFFFF  }
0x44: {  	s7 =	sld [smem:$0x7FC]  }
0x45: {  	s12 =	stileid.u32;
	s0 =	sadd.s32 s11, s28  }
0x46: {  	s2 =	sshll.u32 s12, $0x6;
	s0 =	sshll.u32 s0, $0x4;
	s13 =	rddreg [dreg:$0x6]  }
0x47: {  	s2 =	sor.u32 $0x1C02, s2;
	s3 =	sadd.s32 s13, s0;
	s5 =	sshrl.u32 s7, $0x3  }
0x48: {  	[hbm:s3], [sflag:s2] =	dma.local [spmem:s5], $0x400  }
0x49: {  	s9 =	sld [smem:$0x7FB];
	_ =	sdelay $0x2  }
0x4a: {  	s14 =	sadd.s32 $0x400, s3;
	s6 =	sshrl.u32 s9, $0x3  }
0x4b: {  	[hbm:s14], [sflag:s2] =	dma.local [spmem:s6], $0x400  }
0x4c: {  	s10 =	rddreg [dreg:$0xa]  }
0x4d: {  	s15 =	sadd.s32 $0x800, s3;
	s16 =	sshrl.u32 s10, $0x3  }
0x4e: {  	[hbm:s15], [sflag:s2] =	dma.local [spmem:s16], $0x400  }
0x4f: {  	s6 =	rddreg [dreg:$0x16]  }
0x50: {  	s3 =	sadd.s32 $0xC00, s3;
	s17 =	sshrl.u32 s6, $0x3  }
0x51: {  	[hbm:s3], [sflag:s2] =	dma.local [spmem:s17], $0x400  }
0x52: {  	s3 =	rddreg [dreg:$0xc]  }
0x53: {  	s11 =	rddreg [dreg:$0x18]  }
0x54: {  	s3 =	sadd.s32 s3, s0;
	s28 =	sshrl.u32 s11, $0x3  }
0x55: {  	[hbm:s3], [sflag:s2] =	dma.local [spmem:s28], $0x400  }
0x56: {  	s3 =	rddreg [dreg:$0x10]  }
0x57: {  	s12 =	rddreg [dreg:$0x1a]  }
0x58: {  	s3 =	sadd.s32 s3, s0;
	s29 =	sshrl.u32 s12, $0x3  }
0x59: {  	[hbm:s3], [sflag:s2] =	dma.local [spmem:s29], $0x400  }
0x5a: {  	s3 =	rddreg [dreg:$0xe]  }
0x5b: {  	s14 =	rddreg [dreg:$0x1c]  }
0x5c: {  	s3 =	sadd.s32 s3, s0;
	s31 =	sshrl.u32 s14, $0x3  }
0x5d: {  	[hbm:s3], [sflag:s2] =	dma.local [spmem:s31], $0x400  }
0x5e: {  	s3 =	rddreg [dreg:$0xf]  }
0x5f: {  	s15 =	rddreg [dreg:$0x1e]  }
0x60: {  	s3 =	sadd.s32 s3, s0;
	s13 =	sshrl.u32 s15, $0x3  }
0x61: {  	[hbm:s3], [sflag:s2] =	dma.local [spmem:s13], $0x400  }
0x62: {  	s17 =	sld [smem:$0x7FA];
	_ =	sdelay $0x1  }
0x63: {  	s3 =	rddreg [dreg:$0x11]  }
0x64: {  	s3 =	sadd.s32 s3, s0;
	s16 =	sshrl.u32 s17, $0x3  }
0x65: {  	[hbm:s3], [sflag:s2] =	dma.local [spmem:s16], $0x400  }
0x66: {  	s3 =	rddreg [dreg:$0x12]  }
0x67: {  	s28 =	sshrl.u32 s23, $0x3;
	s3 =	sadd.s32 s3, s0  }
0x68: {  	[hbm:s3], [sflag:s2] =	dma.local [spmem:s28], $0x400  }
0x69: {  	s3 =	rddreg [dreg:$0x14]  }
0x6a: {  	s29 =	sshrl.u32 s26, $0x3;
	s3 =	sadd.s32 s3, s0  }
0x6b: {  	[hbm:s3], [sflag:s2] =	dma.local [spmem:s29], $0x400  }
0x6c: {  	s5 =	sld [smem:$0x7FD];
	_ =	sdelay $0x1  }
0x6d: {  	s3 =	rddreg [dreg:$0x15]  }
0x6e: {  	s0 =	sadd.s32 s3, s0;
	s31 =	sshrl.u32 s5, $0x3  }
0x6f: {  	[hbm:s0], [sflag:s2] =	dma.local [spmem:s31], $0x400  }
0x70: {  	_ =	swait.ge [sflag:s20], $0x400  }
0x71: {  	[sflag:s20] =	ssyncset.done $0x0  }
0x72: {  	[sflag:s20] =	ssyncadd.s32 $0xFFFFFC00  }
0x73: {  	_ =	swait.ge [sflag:s20], $0x400  }
0x74: {  	[sflag:s20] =	ssyncset.done $0x0  }
0x75: {  	[sflag:s20] =	ssyncadd.s32 $0xFFFFFC00  }
0x76: {  	_ =	swait.ge [sflag:s20], $0x400  }
0x77: {  	[sflag:s20] =	ssyncset.done $0x0  }
0x78: {  	[sflag:s20] =	ssyncadd.s32 $0xFFFFFC00  }
0x79: {  	_ =	swait.ge [sflag:s20], $0x400  }
0x7a: {  	[sflag:s20] =	ssyncset.done $0x0  }
0x7b: {  	[sflag:s20] =	ssyncadd.s32 $0xFFFFFC00  }
0x7c: {  	_ =	swait.ge [sflag:s20], $0x400  }
0x7d: {  	[sflag:s20] =	ssyncset.done $0x0  }
0x7e: {  	[sflag:s20] =	ssyncadd.s32 $0xFFFFFC00  }
0x7f: {  	_ =	swait.ge [sflag:s20], $0x400  }
0x80: {  	[sflag:s20] =	ssyncset.done $0x0  }
0x81: {  	[sflag:s20] =	ssyncadd.s32 $0xFFFFFC00  }
0x82: {  	_ =	swait.ge [sflag:s20], $0x400  }
0x83: {  	[sflag:s20] =	ssyncset.done $0x0  }
0x84: {  	[sflag:s20] =	ssyncadd.s32 $0xFFFFFC00  }
0x85: {  	_ =	swait.ge [sflag:s20], $0x400  }
0x86: {  	[sflag:s20] =	ssyncset.done $0x0  }
0x87: {  	[sflag:s20] =	ssyncadd.s32 $0xFFFFFC00  }
0x88: {  	_ =	swait.ge [sflag:s20], $0x400  }
0x89: {  	[sflag:s20] =	ssyncset.done $0x0  }
0x8a: {  	[sflag:s20] =	ssyncadd.s32 $0xFFFFFC00  }
0x8b: {  	_ =	swait.ge [sflag:s20], $0x400  }
0x8c: {  	[sflag:s20] =	ssyncset.done $0x0  }
0x8d: {  	[sflag:s20] =	ssyncadd.s32 $0xFFFFFC00  }
0x8e: {  	_ =	swait.ge [sflag:s20], $0x400  }
0x8f: {  	s25 =	sadd.s32 $0x1, s25;
	[sflag:s20] =	ssyncset.done $0x0  }
0x90: {  	p0 =	sne.s32 s25, $0x18;
	[sflag:s20] =	ssyncadd.s32 $0xFFFFFC00  }
.Ltmp3:
0x91: {  	_ =	swait.ge [sflag:s20], $0x400;
	(pc) =	sbr.rel @!p0 .LBB2_16-.Ltmp3, $3  }
0x92: {  	[sflag:s20] =	ssyncset.done $0x0  }
0x93: {  	[sflag:s20] =	ssyncadd.s32 $0xFFFFFC00  }
0x94: {  	[bflag:$0x0] =	sbarrier.arrive $0xFFFF;
	_ =	sdelay $0x1  }
.LBB2_2:
0x95: {  	[spmem:s7] =	stream.linear.scatter [tilespmem:s19], [sflag:$0x2], $0x1000, $0x38;
	[tilespmem:$0x1F380] =	vst v63  }
0x96: {  	s0 =	rddreg [dreg:$0x8]  }
0x97: {  	[spmem:s0] =	stream.linear.scatter [tilespmem:s19], [sflag:$0x2], $0x1000, $0x38;
	[tilespmem:$0x1F380] =	vst v63  }
0x98: {  	_ = 	snop  }
0x99: {  	[spmem:s9] =	stream.linear.scatter [tilespmem:s19], [sflag:$0x2], $0x1000, $0x38;
	[tilespmem:$0x1F380] =	vst v63  }
0x9a: {  	s3 =	rddreg [dreg:$0x9]  }
0x9b: {  	[spmem:s3] =	stream.linear.scatter [tilespmem:s19], [sflag:$0x2], $0x1000, $0x38;
	[tilespmem:$0x1F380] =	vst v63  }
0x9c: {  	_ = 	snop  }
0x9d: {  	[spmem:s10] =	stream.linear.scatter [tilespmem:s19], [sflag:$0x2], $0x1000, $0x38;
	[tilespmem:$0x1F380] =	vst v63  }
0x9e: {  	s7 =	rddreg [dreg:$0xb]  }
0x9f: {  	[spmem:s7] =	stream.linear.scatter [tilespmem:s19], [sflag:$0x2], $0x1000, $0x38;
	[tilespmem:$0x1F380] =	vst v63  }
0xa0: {  	_ = 	snop  }
0xa1: {  	[spmem:s6] =	stream.linear.scatter [tilespmem:s19], [sflag:$0x2], $0x1000, $0x38;
	[tilespmem:$0x1F380] =	vst v63  }
0xa2: {  	s9 =	rddreg [dreg:$0x17]  }
0xa3: {  	[spmem:s9] =	stream.linear.scatter [tilespmem:s19], [sflag:$0x2], $0x1000, $0x38;
	[tilespmem:$0x1F380] =	vst v63  }
0xa4: {  	_ = 	snop  }
0xa5: {  	[spmem:s11] =	stream.linear.scatter [tilespmem:s19], [sflag:$0x2], $0x1000, $0x38;
	[tilespmem:$0x1F380] =	vst v63  }
0xa6: {  	s10 =	rddreg [dreg:$0x19]  }
0xa7: {  	[spmem:s10] =	stream.linear.scatter [tilespmem:s19], [sflag:$0x2], $0x1000, $0x38;
	[tilespmem:$0x1F380] =	vst v63  }
0xa8: {  	_ = 	snop  }
0xa9: {  	[spmem:s12] =	stream.linear.scatter [tilespmem:s19], [sflag:$0x2], $0x1000, $0x38;
	[tilespmem:$0x1F380] =	vst v63  }
0xaa: {  	s11 =	rddreg [dreg:$0x1b]  }
0xab: {  	[spmem:s11] =	stream.linear.scatter [tilespmem:s19], [sflag:$0x2], $0x1000, $0x38;
	[tilespmem:$0x1F380] =	vst v63  }
0xac: {  	_ = 	snop  }
0xad: {  	[spmem:s14] =	stream.linear.scatter [tilespmem:s19], [sflag:$0x2], $0x1000, $0x38;
	[tilespmem:$0x1F380] =	vst v63  }
0xae: {  	s12 =	rddreg [dreg:$0x1d]  }
0xaf: {  	[spmem:s12] =	stream.linear.scatter [tilespmem:s19], [sflag:$0x2], $0x1000, $0x38;
	[tilespmem:$0x1F380] =	vst v63  }
0xb0: {  	_ = 	snop  }
0xb1: {  	[spmem:s15] =	stream.linear.scatter [tilespmem:s19], [sflag:$0x2], $0x1000, $0x38;
	[tilespmem:$0x1F380] =	vst v63  }
0xb2: {  	s13 =	rddreg [dreg:$0x1f]  }
0xb3: {  	[spmem:s13] =	stream.linear.scatter [tilespmem:s19], [sflag:$0x2], $0x1000, $0x38;
	[tilespmem:$0x1F380] =	vst v63  }
0xb4: {  	s14 =	sld [smem:$0x7F6]  }
0xb5: {  	[spmem:s17] =	stream.linear.scatter [tilespmem:s19], [sflag:$0x2], $0x1000, $0x38;
	[tilespmem:$0x1F380] =	vst v63  }
0xb6: {  	_ = 	snop  }
0xb7: {  	[spmem:s14] =	stream.linear.scatter [tilespmem:s19], [sflag:$0x2], $0x1000, $0x38;
	[tilespmem:$0x1F380] =	vst v63  }
0xb8: {  	s15 =	sld [smem:$0x7F7]  }
0xb9: {  	[spmem:s23] =	stream.linear.scatter [tilespmem:s19], [sflag:$0x2], $0x1000, $0x38;
	[tilespmem:$0x1F380] =	vst v63  }
0xba: {  	_ = 	snop  }
0xbb: {  	[spmem:s15] =	stream.linear.scatter [tilespmem:s19], [sflag:$0x2], $0x1000, $0x38;
	[tilespmem:$0x1F380] =	vst v63  }
0xbc: {  	s17 =	sld [smem:$0x7F8]  }
0xbd: {  	[spmem:s26] =	stream.linear.scatter [tilespmem:s19], [sflag:$0x2], $0x1000, $0x38;
	[tilespmem:$0x1F380] =	vst v63  }
0xbe: {  	_ = 	snop  }
0xbf: {  	[spmem:s17] =	stream.linear.scatter [tilespmem:s19], [sflag:$0x2], $0x1000, $0x38;
	[tilespmem:$0x1F380] =	vst v63  }
0xc0: {  	s16 =	smov.u32 s23;
	s23 =	sld [smem:$0x7F9]  }
0xc1: {  	[spmem:s5] =	stream.linear.scatter [tilespmem:s19], [sflag:$0x2], $0x1000, $0x38;
	[tilespmem:$0x1F380] =	vst v63  }
0xc2: {  	_ = 	snop  }
0xc3: {  	[spmem:s23] =	stream.linear.scatter [tilespmem:s19], [sflag:$0x2], $0x1000, $0x38;
	[tilespmem:$0x1F380] =	vst v63  }
0xc4: {  	_ =	swait.ge [sflag:s20], $0x1000  }
0xc5: {  	[sflag:s20] =	ssyncset.done $0x0  }
0xc6: {  	[sflag:s20] =	ssyncadd.s32 $0xFFFFF000  }
0xc7: {  	_ =	swait.ge [sflag:s20], $0x1000  }
0xc8: {  	[sflag:s20] =	ssyncset.done $0x0  }
0xc9: {  	[sflag:s20] =	ssyncadd.s32 $0xFFFFF000  }
0xca: {  	_ =	swait.ge [sflag:s20], $0x1000  }
0xcb: {  	[sflag:s20] =	ssyncset.done $0x0  }
0xcc: {  	[sflag:s20] =	ssyncadd.s32 $0xFFFFF000  }
0xcd: {  	_ =	swait.ge [sflag:s20], $0x1000  }
0xce: {  	[sflag:s20] =	ssyncset.done $0x0  }
0xcf: {  	[sflag:s20] =	ssyncadd.s32 $0xFFFFF000  }
0xd0: {  	_ =	swait.ge [sflag:s20], $0x1000  }
0xd1: {  	[sflag:s20] =	ssyncset.done $0x0  }
0xd2: {  	[sflag:s20] =	ssyncadd.s32 $0xFFFFF000  }
0xd3: {  	_ =	swait.ge [sflag:s20], $0x1000  }
0xd4: {  	[sflag:s20] =	ssyncset.done $0x0  }
0xd5: {  	[sflag:s20] =	ssyncadd.s32 $0xFFFFF000  }
0xd6: {  	_ =	swait.ge [sflag:s20], $0x1000  }
0xd7: {  	[sflag:s20] =	ssyncset.done $0x0  }
0xd8: {  	[sflag:s20] =	ssyncadd.s32 $0xFFFFF000  }
0xd9: {  	_ =	swait.ge [sflag:s20], $0x1000  }
0xda: {  	[sflag:s20] =	ssyncset.done $0x0  }
0xdb: {  	[sflag:s20] =	ssyncadd.s32 $0xFFFFF000  }
0xdc: {  	_ =	swait.ge [sflag:s20], $0x1000  }
0xdd: {  	[sflag:s20] =	ssyncset.done $0x0  }
0xde: {  	[sflag:s20] =	ssyncadd.s32 $0xFFFFF000  }
0xdf: {  	_ =	swait.ge [sflag:s20], $0x1000  }
0xe0: {  	[sflag:s20] =	ssyncset.done $0x0  }
0xe1: {  	[sflag:s20] =	ssyncadd.s32 $0xFFFFF000  }
0xe2: {  	_ =	swait.ge [sflag:s20], $0x1000  }
0xe3: {  	[sflag:s20] =	ssyncset.done $0x0  }
0xe4: {  	[sflag:s20] =	ssyncadd.s32 $0xFFFFF000  }
0xe5: {  	_ =	swait.ge [sflag:s20], $0x1000  }
0xe6: {  	[sflag:s20] =	ssyncset.done $0x0  }
0xe7: {  	[sflag:s20] =	ssyncadd.s32 $0xFFFFF000  }
0xe8: {  	_ =	swait.ge [sflag:s20], $0x1000  }
0xe9: {  	[sflag:s20] =	ssyncset.done $0x0  }
0xea: {  	[sflag:s20] =	ssyncadd.s32 $0xFFFFF000  }
0xeb: {  	_ =	swait.ge [sflag:s20], $0x1000  }
0xec: {  	[sflag:s20] =	ssyncset.done $0x0  }
0xed: {  	[sflag:s20] =	ssyncadd.s32 $0xFFFFF000  }
0xee: {  	_ =	swait.ge [sflag:s20], $0x1000  }
0xef: {  	[sflag:s20] =	ssyncset.done $0x0  }
0xf0: {  	[sflag:s20] =	ssyncadd.s32 $0xFFFFF000  }
0xf1: {  	_ =	swait.ge [sflag:s20], $0x1000  }
0xf2: {  	[sflag:s20] =	ssyncset.done $0x0  }
0xf3: {  	[sflag:s20] =	ssyncadd.s32 $0xFFFFF000  }
0xf4: {  	_ =	swait.ge [sflag:s20], $0x1000  }
0xf5: {  	[sflag:s20] =	ssyncset.done $0x0  }
0xf6: {  	[sflag:s20] =	ssyncadd.s32 $0xFFFFF000  }
0xf7: {  	_ =	swait.ge [sflag:s20], $0x1000  }
0xf8: {  	[sflag:s20] =	ssyncset.done $0x0  }
0xf9: {  	[sflag:s20] =	ssyncadd.s32 $0xFFFFF000  }
0xfa: {  	_ =	swait.ge [sflag:s20], $0x1000  }
0xfb: {  	[sflag:s20] =	ssyncset.done $0x0  }
0xfc: {  	[sflag:s20] =	ssyncadd.s32 $0xFFFFF000  }
0xfd: {  	_ =	swait.ge [sflag:s20], $0x1000  }
0xfe: {  	[sflag:s20] =	ssyncset.done $0x0  }
0xff: {  	[sflag:s20] =	ssyncadd.s32 $0xFFFFF000  }
0x100: {  	_ =	swait.ge [sflag:s20], $0x1000  }
0x101: {  	[sflag:s20] =	ssyncset.done $0x0  }
0x102: {  	[sflag:s20] =	ssyncadd.s32 $0xFFFFF000  }
0x103: {  	_ =	swait.ge [sflag:s20], $0x1000  }
0x104: {  	[sflag:s20] =	ssyncset.done $0x0  }
0x105: {  	[sflag:s20] =	ssyncadd.s32 $0xFFFFF000  }
0x106: {  	_ =	swait.ge [sflag:s20], $0x1000  }
0x107: {  	[sflag:s20] =	ssyncset.done $0x0  }
0x108: {  	[sflag:s20] =	ssyncadd.s32 $0xFFFFF000  }
0x109: {  	s13 =	smov.u32 s26;
	s26 =	sshll.u32 s25, $0x1;
	_ =	swait.ge [sflag:s20], $0x1000  }
.Ltmp4:
0x10a: {  	[sflag:s20] =	ssyncset.done $0x0;
	s2 =	rddreg [dreg:$0x5];
	(pc) =	sbr.rel .LBB2_3-.Ltmp4, $4  }
0x10b: {  	s31 =	simm.s32 $0x18080;
	[sflag:s20] =	ssyncadd.s32 $0xFFFFF000;
	s0 =	sor.u32 s2, s26  }
0x10c: {  	s3 =	simm.s32 $0x0;
	s28 =	smul.u32 $0x3000, s0;
	[bflag:$0x0] =	sbarrier.arrive $0xFFFF  }
0x10d: {  	s15 =	simm.s32 $0x0;
	s0 =	simm.s32 $0x0;
	s29 =	rddreg [dreg:$0xd]  }
0x10e: {  	[tilespmem:s31], [sflag:$0x2] =	stream.linear.gather [hbm4b:s29+s30], $0x800, $0x38;
	v3 =	vmov s28;
	[tilespmem:$0x1F380] =	vst v63  }
.LBB2_8:
0x10f: {  	v9 =	vld [tilespmem:s12+$0xFFFFFFF0];
	[tilespmem:s9+$0x1A2A0] =	vst v8  }
0x110: {  	v63 =	vld [tilespmem:s17+$0xFFFFFFE0];
	[tilespmem:s9+$0x1A1B0] =	vst v6  }
0x111: {  	[tilespmem:s9+$0x1A290] =	vst v4  }
0x112: {  	[tilespmem:s9+$0x1A180] =	vst v5  }
0x113: {  	[tilespmem:s9+$0x1A1A0] =	vst v7  }
0x114: {  	[tilespmem:s9+$0x1A190] =	vst v9  }
0x115: {  	s2 =	sadd.s32 $0x1A280, s9;
	s6 =	sadd.s32 $0x1A380, s26;
	s15 =	smov.u32 s3;
	[tilespmem:s9+$0x1A280] =	vst v63  }
0x116: {  	[tilespmem:s6], [sflag:$0x1] =	stream.indirect.gather [hbm4b:s4+s24], $0x80, s2, s24, $0xb8;
	[tilespmem:$0x1F380] =	vst v63  }
.LBB2_9:
0x117: {  	s2 =	sshll.u32 s11, $0x6  }
0x118: {  	v4 =	vld [tilespmem:s2+$0x19080]  }
0x119: {  	v5 =	vld [tilespmem:s2+$0x19900]  }
0x11a: {  	v6 =	vld [tilespmem:s2+$0x19090]  }
0x11b: {  	v7 =	vld [tilespmem:s2+$0x19910]  }
0x11c: {  	v8 =	vld [tilespmem:s2+$0x190A0]  }
0x11d: {  	v9 =	vld [tilespmem:s2+$0x19920];
	[tilespmem:s5+$0x18080] =	vst v4  }
0x11e: {  	v10 =	vld [tilespmem:s2+$0x190B0];
	[tilespmem:s5+$0x18100] =	vst v5  }
0x11f: {  	v11 =	vld [tilespmem:s2+$0x19930];
	[tilespmem:s5+$0x18090] =	vst v6  }
0x120: {  	[tilespmem:s5+$0x18110] =	vst v7  }
0x121: {  	[tilespmem:s5+$0x180A0] =	vst v8  }
0x122: {  	[tilespmem:s5+$0x18120] =	vst v9  }
0x123: {  	[tilespmem:s5+$0x180B0] =	vst v10  }
0x124: {  	[tilespmem:s5+$0x18130] =	vst v11  }
0x125: {  	[tilespmem:$0x19080] =	vst v4  }
0x126: {  	s0 =	sadd.s32 $0x1, s0;
	[tilespmem:$0x19900] =	vst v5  }
0x127: {  	p0 =	sne.s32 s0, $0x12;
	[tilespmem:$0x19090] =	vst v6  }
.Ltmp5:
0x128: {  	[tilespmem:$0x19910] =	vst v7;
	(pc) =	sbr.rel @!p0 .LBB2_10-.Ltmp5, $4  }
0x129: {  	[tilespmem:$0x190A0] =	vst v8  }
0x12a: {  	[tilespmem:$0x19920] =	vst v9  }
0x12b: {  	[tilespmem:$0x190B0] =	vst v10  }
0x12c: {  	s3 =	ssub.s32 s7, s2;
	[tilespmem:$0x19930] =	vst v11  }
.LBB2_3:
0x12d: {  	_ =	swait.ge [sflag:s20], $0x800;
	s5 =	sand.u32 $0x1, s0;
	p0 =	seq.s32 s0, $0x11  }
0x12e: {  	[sflag:s20] =	ssyncset.done $0x0;
	s7 =	sshll.u32 @!p0 s5, $0xB  }
0x12f: {  	s9 =	sshll.u32 @!p0 s0, $0x8;
	s11 =	simm.s32 @!p0 $0x0;
	s5 =	sshll.u32 s5, $0xB  }
0x130: {  	[sflag:s20] =	ssyncadd.s32 $0xFFFFF800;
	s7 =	sxor.u32 @!p0 $0x18880, s7;
	s9 =	sadd.s32 @!p0 s18, s9  }
0x131: {  	[tilespmem:s7], [sflag:$0x2] =	stream.linear.gather @!p0 [hbm4b:s9+s11], $0x800, $0x38;
	[tilespmem:$0x1F380] =	vst v63  }
0x132: {  	s31 =	sand.u32 $0x780, s30;
	s7 =	sor.u32 $0x18080, s5  }
0x133: {  	s2 =	sand.u32 $0x60, s30;
	s9 =	sadd.s32 s31, s7  }
0x134: {  	s9 =	sadd.s32 s2, s9  }
0x135: {  	v4 =	vld [tilespmem:s9+$0x0]  }
0x136: {  	v5 =	vld [tilespmem:s9+$0x10];
	_ =	sdelay $0x3  }
0x137: {  	v13 =	vsub.s32 v4, v3  }
0x138: {  	v4 =	vsub.s32 v5, v3;
	vm0 =	vlt.u32 v13, $0x3000  }
0x139: {  	vm1 =	vlt.u32 v4, $0x3000;
	v5 =	vsel vm0, $0x1, v1  }
0x13a: {  	v6 =	vsel vm1, $0x1, v1;
	(xrf0) =	vadd.scan.msk.s32 $0xffff, v5  }
0x13b: {  	(xrf0) =	vadd.scan.msk.s32 $0xffff, v6;
	_ =	sdelay $0x1  }
0x13c: {  	s6 =	simm.s32 $0x20  }
0x13d: {  	s10 =	sand.u32 $0x780, s6  }
0x13e: {  	s11 =	sadd.s32 s10, s7;
	s9 =	sand.u32 $0x60, s6  }
0x13f: {  	s9 =	sadd.s32 s9, s11;
	v10, _, _ =	vpop (xrf0)  }
0x140: {  	v5 =	vld [tilespmem:s9+$0x0];
	v12, _, _ =	vpop (xrf0);
	(v2sf) =	vpush v10, $0xF  }
0x141: {  	v6 =	vld [tilespmem:s9+$0x10];
	(v2sf) =	vpush v12, $0xF  }
0x142: {  	s12 =	simm.s32 $0x40  }
0x143: {  	s14 =	sand.u32 $0x780, s12  }
0x144: {  	s11 =	sadd.s32 s14, s7;
	s9 =	sand.u32 $0x60, s12  }
0x145: {  	s9 =	sadd.s32 s9, s11;
	v8 =	vsub.s32 v5, v3  }
0x146: {  	v11 =	vld [tilespmem:s9+$0x10];
	v6 =	vsub.s32 v6, v3;
	vm2 =	vlt.u32 v8, $0x3000  }
0x147: {  	v5 =	vld [tilespmem:s9+$0x0];
	vm4 =	vlt.u32 v6, $0x3000;
	v7 =	vsel vm2, $0x1, v1  }
0x148: {  	v9 =	vsel vm4, $0x1, v1;
	(xrf0) =	vadd.scan.msk.s32 $0xffff, v7  }
0x149: {  	(xrf0) =	vadd.scan.msk.s32 $0xffff, v9;
	_ =	sdelay $0x1  }
0x14a: {  	v14 =	vmov s3  }
0x14b: {  	v7 =	vsub.s32 v5, v3;
	v5 =	vsub.s32 v11, v3;
	v11 =	vadd.s32 $0xFFFFFFFF, v14;
	_ =	sdelay $0x1  }
0x14c: {  	vm5 =	vmmov vm1;
	v16, _, _ =	vpop (xrf0)  }
0x14d: {  	vm1 =	vlt.u32 v7, $0x3000;
	v15 =	vbroadcast v11, $0x0;
	v11, _, _ =	vpop (xrf0);
	s12 =	spop (v2sf);
	(v2sf) =	vpush v16, $0xF  }
0x14e: {  	s17 =	sshll.u32 s0, $0xB;
	s23 =	simm.s32 $0x60;
	vm3 =	vlt.u32 v5, $0x3000;
	v14 =	vsel vm1, $0x1, v1;
	s31 =	spop (v2sf);
	(v2sf) =	vpush v11, $0xF  }
0x14f: {  	s26 =	sand.u32 $0x780, s23;
	s9 =	sadd.s32 s8, s17;
	v17 =	vsel vm3, $0x1, v1;
	(xrf0) =	vadd.scan.msk.s32 $0xffff, v14;
	s29 =	sadd.s32 s3, s12  }
0x150: {  	vm7 =	vmmov vm0;
	s11 =	sadd.s32 s26, s7;
	v9 =	vor.u32 s9, v0;
	s9 =	sand.u32 $0x60, s23;
	(xrf0) =	vadd.scan.msk.s32 $0xffff, v17;
	s3 =	sadd.s32 s31, s29  }
0x151: {  	vm6 =	vmmov vm7;
	s9 =	sadd.s32 s9, s11;
	v14 =	vadd.s32 v10, v15;
	v15 =	vmov s3  }
0x152: {  	vm8 =	vmmov vm6;
	v18 =	vld [tilespmem:s9+$0x0];
	v10 =	vmov s29;
	v15 =	vadd.s32 $0xFFFFFFFF, v15  }
0x153: {  	vm0 =	vmmov vm2;
	vm2 =	vmmov vm5;
	v19 =	vld [tilespmem:s9+$0x10];
	v10 =	vadd.s32 $0xFFFFFFFF, v10  }
0x154: {  	vm4 =	vmmov vm4;
	vm5 =	vmmov vm0;
	v10 =	vbroadcast v10, $0x0  }
0x155: {  	vm2 =	vmmov vm2;
	vm4 =	vmmov vm4;
	v20 =	vbroadcast v15, $0x0;
	v15, _, _ =	vpop (xrf0)  }
0x156: {  	vm6 =	vmmov vm1;
	v17 =	vadd.s32 v12, v10;
	v12, _, _ =	vpop (xrf0);
	(v2sf) =	vpush v15, $0xF  }
0x157: {  	vm3 =	vmmov vm3;
	v10 =	vsub.s32 v18, v3;
	(v2sf) =	vpush v12, $0xF  }
0x158: {  	[tilespmem:v14+s21+$0x0] =	vst.idx.msk vm7, v13;
	v13 =	vsub.s32 v19, v3;
	v16 =	vadd.s32 v16, v20;
	vm9 =	vlt.u32 v10, $0x3000  }
0x159: {  	s11 =	simm.s32 $0x80;
	s9 =	simm.s32 $0xA0;
	[tilespmem:v14+s22+$0x0] =	vst.idx.msk vm8, v9;
	vm7 =	vlt.u32 v13, $0x3000;
	v18 =	vadd.s32 $0x10, v9;
	v19 =	vsel vm9, $0x1, v1;
	v14 =	vmovc v16  }
.LBB2_4:
0x15a: {  	vm10 =	vmmov vm1  }
0x15b: {  	vm1 =	vmmov vm9;
	s12 =	sand.u32 $0x60, s11;
	v20 =	vsel vm7, $0x1, v1;
	v9 =	vadd.s32 $0x20, v9  }
0x15c: {  	s14 =	sand.u32 $0x780, s11;
	s11 =	smov.u32 s9;
	(xrf0) =	vadd.scan.msk.s32 $0xffff, v19;
	s17 =	spop (v2sf);
	[tilespmem:v17+s21+$0x0] =	vst.idx.msk vm2, v4;
	v4 =	vmovc v6;
	v6 =	vmov v5;
	v5 =	vmov v13  }
0x15d: {  	vm8 =	vmmov vm5;
	vm5 =	vmmov vm6;
	s14 =	sadd.s32 s14, s7;
	(xrf0) =	vadd.scan.msk.s32 $0xffff, v20;
	s3 =	sadd.s32 s3, s17;
	s17 =	spop (v2sf);
	[tilespmem:v17+s22+$0x0] =	vst.idx.msk vm2, v18  }
0x15e: {  	s26 =	sadd.s32 $0x20, s9;
	vm6 =	vmmov vm9;
	s12 =	sadd.s32 s12, s14;
	v13 =	vmov s3;
	[tilespmem:v16+s21+$0x0] =	vst.idx.msk vm0, v8;
	s3 =	sadd.s32 s17, s3;
	v8 =	vmovc v7;
	v7 =	vmovc v10;
	vm0 =	vmmov vm10  }
0x15f: {  	p0 =	sne.s32 s9, $0x7E0;
	vm2 =	vmmov vm4;
	v10 =	vld [tilespmem:s12+$0x0];
	v16 =	vmov s3;
	v13 =	vadd.s32 $0xFFFFFFFF, v13  }
0x160: {  	vm4 =	vmmov vm3;
	v18 =	vld [tilespmem:s12+$0x10];
	v16 =	vadd.s32 $0xFFFFFFFF, v16;
	v13 =	vbroadcast v13, $0x0  }
0x161: {  	vm3 =	vmmov vm7;
	v16 =	vbroadcast v16, $0x0  }
.Ltmp6:
0x162: {  	v19, _, _ =	vpop (xrf0);
	v17 =	vadd.s32 v11, v13;
	v11 =	vmov v12;
	(pc) =	sbr.rel @p0 .LBB2_4-.Ltmp6, $4  }
0x163: {  	v12, _, _ =	vpop (xrf0);
	(v2sf) =	vpush v19, $0xF;
	v16 =	vadd.s32 v15, v16;
	v15 =	vmov v19  }
0x164: {  	v10 =	vsub.s32 v10, v3;
	(v2sf) =	vpush v12, $0xF  }
0x165: {  	v13 =	vsub.s32 v18, v3;
	vm9 =	vlt.u32 v10, $0x3000  }
0x166: {  	s9 =	smov.u32 s26;
	v18 =	vadd.s32 $0x10, v9;
	vm7 =	vlt.u32 v13, $0x3000;
	v19 =	vsel vm9, $0x1, v1;
	[tilespmem:v14+s22+$0x0] =	vst.idx.msk vm8, v9;
	v14 =	vmovc v16  }
0x167: {  	s9 =	sand.u32 $0x780, s11  }
0x168: {  	s6 =	sand.u32 $0x60, s11;
	s7 =	sadd.s32 s9, s7  }
0x169: {  	s7 =	sadd.s32 s6, s7  }
0x16a: {  	v20 =	vld [tilespmem:s7+$0x0]  }
0x16b: {  	v21 =	vld [tilespmem:s7+$0x10];
	_ =	sdelay $0x1  }
0x16c: {  	(xrf0) =	vadd.scan.msk.s32 $0xffff, v19;
	_ =	sdelay $0x1  }
0x16d: {  	v20 =	vsub.s32 v20, v3  }
0x16e: {  	v49 =	vsel vm7, $0x1, v1;
	v21 =	vsub.s32 v21, v3;
	vm8 =	vlt.u32 v20, $0x3000  }
0x16f: {  	(xrf0) =	vadd.scan.msk.s32 $0xffff, v49;
	vm10 =	vlt.u32 v21, $0x3000;
	v50 =	vsel vm8, $0x1, v1  }
0x170: {  	v22 =	vsel vm10, $0x1, v1;
	(xrf0) =	vadd.scan.msk.s32 $0xffff, v50  }
0x171: {  	v51, _, _ =	vpop (xrf0);
	(xrf0) =	vadd.scan.msk.s32 $0xffff, v22;
	_ =	sdelay $0x3  }
0x172: {  	(v2sf) =	vpush v51, $0xF;
	v52, _, _ =	vpop (xrf0)  }
0x173: {  	(v2sf) =	vpush v52, $0xF;
	v23, _, _ =	vpop (xrf0)  }
0x174: {  	(v2sf) =	vpush v23, $0xF;
	v24, _, _ =	vpop (xrf0)  }
0x175: {  	s9 =	spop (v2sf);
	(v2sf) =	vpush v24, $0xF;
	_ =	sdelay $0x3  }
0x176: {  	s3 =	sadd.s32 s3, s9  }
0x177: {  	v9 =	vadd.s32 $0x20, v9;
	vm11 =	vmmov vm5;
	v25 =	vmov s3  }
0x178: {  	vm6 =	vmmov vm6;
	vm5 =	vmmov vm9;
	s10 =	spop (v2sf);
	v25 =	vadd.s32 $0xFFFFFFFF, v25  }
0x179: {  	vm1 =	vmmov vm1;
	vm4 =	vmmov vm4;
	s7 =	sadd.s32 s10, s3;
	v25 =	vbroadcast v25, $0x0  }
0x17a: {  	vm14 =	vmmov vm3;
	vm15 =	vmmov vm7;
	v26 =	vmov s7;
	s11 =	spop (v2sf)  }
0x17b: {  	v53 =	vadd.s32 $0x10, v9;
	v26 =	vadd.s32 $0xFFFFFFFF, v26;
	v11 =	vadd.s32 v11, v25;
	s3 =	sadd.s32 s7, s11  }
0x17c: {  	[tilespmem:v17+s21+$0x0] =	vst.idx.msk vm2, v4;
	v54 =	vadd.s32 $0x20, v9;
	v26 =	vbroadcast v26, $0x0;
	s12 =	spop (v2sf);
	v27 =	vmov s3  }
0x17d: {  	[tilespmem:v17+s22+$0x0] =	vst.idx.msk vm2, v18;
	vm3 =	vmmov vm6;
	vm12 =	vmmov vm5;
	s3 =	sadd.s32 s12, s3;
	v27 =	vadd.s32 $0xFFFFFFFF, v27  }
0x17e: {  	[tilespmem:v16+s21+$0x0] =	vst.idx.msk vm0, v8;
	v15 =	vadd.s32 v15, v26;
	v4 =	vmov s3;
	v55 =	vbroadcast v27, $0x0;
	s14 =	spop (v2sf)  }
0x17f: {  	vm14 =	vmmov vm14;
	vm7 =	vmmov vm15;
	[tilespmem:v14+s22+$0x0] =	vst.idx.msk vm11, v9;
	v4 =	vadd.s32 $0xFFFFFFFF, v4;
	s3 =	sadd.s32 s3, s14;
	s17 =	spop (v2sf)  }
0x180: {  	[tilespmem:v11+s21+$0x0] =	vst.idx.msk vm4, v6;
	v4 =	vbroadcast v4, $0x0;
	v56 =	vadd.s32 v12, v55;
	v57 =	vmov s3;
	s3 =	sadd.s32 s17, s3;
	s23 =	spop (v2sf)  }
0x181: {  	[tilespmem:v11+s22+$0x0] =	vst.idx.msk vm4, v53;
	vm4 =	vmmov vm12;
	v9 =	vadd.s32 $0xFFFFFFFF, v57;
	v59 =	vmov s3;
	s3 =	sadd.s32 s3, s23;
	s26 =	spop (v2sf)  }
0x182: {  	v4 =	vadd.s32 v51, v4;
	v9 =	vbroadcast v9, $0x0;
	v60 =	vadd.s32 $0xFFFFFFFF, v59;
	s7 =	sadd.s32 s26, s3  }
0x183: {  	v58 =	vadd.s32 $0x10, v54;
	[tilespmem:v15+s21+$0x0] =	vst.idx.msk vm1, v7;
	v7 =	vbroadcast v60, $0x0;
	v61 =	vmov s3;
	s3 =	sand.u32 $0x3F, s7  }
0x184: {  	vm13 =	vmmov vm8;
	vm15 =	vmmov vm10;
	[tilespmem:v15+s22+$0x0] =	vst.idx.msk vm3, v54;
	v9 =	vadd.s32 v52, v9;
	s29 =	sshra.s32 s7, $0x1F;
	p0 =	slt.s32 s7, $0x1;
	p1 =	sne.s32 s3, $0x0  }
0x185: {  	vm10 =	vmmov vm13;
	[tilespmem:v56+s21+$0x0] =	vst.idx.msk vm14, v5;
	v62 =	vadd.s32 v23, v7;
	v5 =	vadd.s32 $0xFFFFFFFF, v61;
	s31 =	sshrl.u32 s29, $0x1A;
	p0 =	por !p0, !p1  }
0x186: {  	s9 =	simm.s32 $0x1;
	[tilespmem:v56+s22+$0x0] =	vst.idx.msk vm14, v58;
	vm14 =	vmmov vm10;
	v5 =	vbroadcast v5, $0x0;
	s3 =	sadd.s32 s31, s7;
	p0 =	por !p0, !p0  }
0x187: {  	v63 =	vadd.s32 $0x20, v54;
	vm13 =	vmmov vm15;
	[tilespmem:v4+s21+$0x0] =	vst.idx.msk vm5, v10;
	s3 =	sshra.s32 s3, $0x6;
	s9 =	simm.s32 @!p0 $0x0  }
0x188: {  	[tilespmem:v4+s22+$0x0] =	vst.idx.msk vm4, v63;
	v4 =	vadd.s32 v24, v5;
	s11 =	ssub.s32 s3, s9  }
0x189: {  	[tilespmem:v9+s21+$0x0] =	vst.idx.msk vm7, v13;
	p0 =	slt.s32 s11, $0x1  }
.Ltmp7:
0x18a: {  	[tilespmem:v62+s21+$0x0] =	vst.idx.msk vm8, v20;
	v5 =	vadd.s32 $0x10, v63;
	(pc) =	sbr.rel @p0 .LBB2_9-.Ltmp7, $4  }
0x18b: {  	[tilespmem:v9+s22+$0x0] =	vst.idx.msk vm7, v5;
	v5 =	vadd.s32 $0x20, v63  }
0x18c: {  	[tilespmem:v62+s22+$0x0] =	vst.idx.msk vm14, v5  }
0x18d: {  	v5 =	vadd.s32 $0x10, v5;
	[tilespmem:v4+s21+$0x0] =	vst.idx.msk vm13, v21  }
0x18e: {  	vm11 =	vmmov vm7;
	vm12 =	vmmov vm8;
	vm15 =	vmmov vm13;
	[tilespmem:v4+s22+$0x0] =	vst.idx.msk vm13, v5  }
0x18f: {  	s3 =	sadd.s32 $0x1, s15;
	p0 =	slt.s32 s15, $0x1  }
0x190: {  	s9 =	sshrl.u32 @!p0 s3, $0x1F  }
0x191: {  	s9 =	sadd.s32 @!p0 s9, s3  }
0x192: {  	s12 =	simm.s32 @!p0 $0x3;
	s9 =	sand.u32 @!p0 $0xFFFFFFFE, s9  }
0x193: {  	s14 =	simm.s32 @!p0 $0x1;
	s17 =	simm.s32 @!p0 $0x40;
	s9 =	ssub.s32 @!p0 s3, s9  }
0x194: {  	_ =	swait.ge @!p0 [sflag:s14], $0x2000;
	s26 =	sshll.u32 @!p0 s9, $0xF;
	s9 =	sshll.u32 @!p0 s9, $0x9  }
0x195: {  	[sflag:s14] =	ssyncset.done @!p0 $0x0;
	s26 =	sshra.s32 @!p0 s26, $0x2;
	s9 =	sshra.s32 @!p0 s9, $0x2  }
0x196: {  	[sflag:s14] =	ssyncadd.s32 @!p0 $0xFFFFE000;
	s14 =	sadd.s32 @!p0 $0x1A380, s26;
	s9 =	sadd.s32 @!p0 $0x1A180, s9  }
0x197: {  	[spmem:s1] =	stream.indirect.scatter.add.f32 @!p0 [tilespmem:s14], [sflag:$0x3], $0x80, s9, s17, $0xb8;
	[tilespmem:$0x1F380] =	vst v63  }
0x198: {  	_ =	swait.ge @!p0 [sflag:s12], $0x2000  }
0x199: {  	[sflag:s12] =	ssyncset.done @!p0 $0x0  }
0x19a: {  	s17 =	simm.s32 $0x19920;
	s14 =	sadd.s32 $0xFFFFFFFF, s11;
	[sflag:s12] =	ssyncadd.s32 @!p0 $0xFFFFE000  }
0x19b: {  	s29 =	sshrl.u32 s15, $0x1F;
	p0 =	sne.s32 s14, $0x0;
	v9 =	vld [tilespmem:s17+$0x10]  }
.Ltmp8:
0x19c: {  	s9 =	sadd.s32 s29, s15;
	s12 =	simm.s32 $0x190A0;
	v8 =	vld [tilespmem:s17+$0x0];
	(pc) =	sbr.rel @!p0 .LBB2_8-.Ltmp8, $4  }
0x19d: {  	s9 =	sand.u32 $0xFFFFFFFE, s9;
	v6 =	vld [tilespmem:s12+$0x10]  }
0x19e: {  	s31 =	ssub.s32 s15, s9;
	v4 =	vld [tilespmem:s17+$0xFFFFFFF0]  }
0x19f: {  	s9 =	sshll.u32 s31, $0x7;
	s15 =	sshll.u32 s31, $0xF;
	v5 =	vld [tilespmem:s12+$0xFFFFFFE0]  }
0x1a0: {  	v7 =	vld [tilespmem:s12+$0x0];
	s26 =	sshra.s32 s15, $0x2;
	s15 =	simm.s32 $0x19920;
	[tilespmem:s9+$0x1A2B0] =	vst v9  }
.LBB2_7:
0x1a1: {  	s14 =	sadd.s32 $0xFFFFFFFF, s14;
	v9 =	vld [tilespmem:s12+$0xFFFFFFF0];
	[tilespmem:s9+$0x1A2A0] =	vst v8;
	s15 =	sadd.s32 $0x40, s15;
	s12 =	sadd.s32 $0x40, s12  }
0x1a2: {  	s29 =	smov.u32 s3;
	p0 =	sne.s32 s14, $0x0;
	v8 =	vld [tilespmem:s17+$0xFFFFFFE0];
	[tilespmem:s9+$0x1A1B0] =	vst v6;
	s17 =	smov.u32 s15  }
0x1a3: {  	s3 =	sadd.s32 $0x1, s3;
	p1 =	slt.s32 s29, $0x1;
	[tilespmem:s9+$0x1A290] =	vst v4  }
0x1a4: {  	s31 =	sshrl.u32 @!p1 s3, $0x1F;
	[tilespmem:s9+$0x1A180] =	vst v5  }
0x1a5: {  	s2 =	sadd.s32 $0x1A280, s9;
	s31 =	sadd.s32 @!p1 s31, s3;
	[tilespmem:s9+$0x1A1A0] =	vst v7  }
0x1a6: {  	s26 =	sadd.s32 $0x1A380, s26;
	s23 =	simm.s32 @!p1 $0x3;
	s31 =	sand.u32 @!p1 $0xFFFFFFFE, s31;
	[tilespmem:s9+$0x1A190] =	vst v9  }
0x1a7: {  	s6 =	simm.s32 @!p1 $0x1;
	s10 =	simm.s32 @!p1 $0x40;
	s31 =	ssub.s32 @!p1 s3, s31;
	[tilespmem:s9+$0x1A280] =	vst v8  }
0x1a8: {  	[tilespmem:s26], [sflag:$0x1] =	stream.indirect.gather [hbm4b:s4+s24], $0x80, s2, s24, $0xb8;
	[tilespmem:$0x1F380] =	vst v63  }
0x1a9: {  	s9 =	sshll.u32 @!p1 s31, $0x9;
	s2 =	sshll.u32 @!p1 s31, $0xF;
	_ =	swait.ge @!p1 [sflag:s6], $0x2000  }
0x1aa: {  	s9 =	sshra.s32 @!p1 s9, $0x2;
	s2 =	sshra.s32 @!p1 s2, $0x2;
	[sflag:s6] =	ssyncset.done @!p1 $0x0  }
0x1ab: {  	s2 =	sadd.s32 @!p1 $0x1A380, s2;
	[sflag:s6] =	ssyncadd.s32 @!p1 $0xFFFFE000;
	s6 =	sadd.s32 @!p1 $0x1A180, s9  }
0x1ac: {  	[spmem:s1] =	stream.indirect.scatter.add.f32 @!p1 [tilespmem:s2], [sflag:$0x3], $0x80, s6, s10, $0xb8;
	[tilespmem:$0x1F380] =	vst v63  }
0x1ad: {  	_ =	swait.ge @!p1 [sflag:s23], $0x2000  }
0x1ae: {  	[sflag:s23] =	ssyncset.done @!p1 $0x0  }
0x1af: {  	[sflag:s23] =	ssyncadd.s32 @!p1 $0xFFFFE000  }
0x1b0: {  	s2 =	sshrl.u32 s29, $0x1F;
	v9 =	vld [tilespmem:s15+$0x10]  }
.Ltmp9:
0x1b1: {  	s2 =	sadd.s32 s2, s29;
	v8 =	vld [tilespmem:s15+$0x0];
	(pc) =	sbr.rel @p0 .LBB2_7-.Ltmp9, $4  }
0x1b2: {  	s2 =	sand.u32 $0xFFFFFFFE, s2;
	v6 =	vld [tilespmem:s12+$0x10]  }
0x1b3: {  	s2 =	ssub.s32 s29, s2;
	v4 =	vld [tilespmem:s15+$0xFFFFFFF0]  }
0x1b4: {  	s9 =	sshll.u32 s2, $0x7;
	s2 =	sshll.u32 s2, $0xF;
	v5 =	vld [tilespmem:s12+$0xFFFFFFE0]  }
0x1b5: {  	s26 =	sshra.s32 s2, $0x2;
	v7 =	vld [tilespmem:s12+$0x0];
	[tilespmem:s9+$0x1A2B0] =	vst v9  }
.Ltmp10:
0x1b6: {  	_ = 	snop;
	(pc) =	sbr.rel .LBB2_8-.Ltmp10, $1  }
0x1b7: {  	_ =	sdelay $0x3  }
.LBB2_10:
0x1b8: {  	s0 =	sadd.s32 $0x3F, s3  }
0x1b9: {  	s2 =	sand.u32 $0x3F, s0  }
0x1ba: {  	s31 =	sshra.s32 s0, $0x1F;
	p1 =	slt.s32 s0, $0x1;
	p0 =	sne.s32 s2, $0x0  }
0x1bb: {  	s2 =	sshrl.u32 s31, $0x1A;
	p0 =	por !p1, !p0  }
0x1bc: {  	s0 =	sadd.s32 s2, s0;
	s2 =	simm.s32 $0x1;
	p0 =	por !p0, !p0  }
0x1bd: {  	[tilespmem:s3+$0x19080] =	vst v2;
	s0 =	sshra.s32 s0, $0x6;
	s2 =	simm.s32 @!p0 $0x0  }
0x1be: {  	[tilespmem:s3+$0x19900] =	vst v1;
	s7 =	ssub.s32 s0, s2  }
0x1bf: {  	[tilespmem:s3+$0x19090] =	vst v2;
	p0 =	slt.s32 s7, $0x1  }
.Ltmp11:
0x1c0: {  	[tilespmem:s3+$0x19910] =	vst v1;
	(pc) =	sbr.rel @p0 .LBB2_11-.Ltmp11, $4  }
0x1c1: {  	[tilespmem:s3+$0x190A0] =	vst v2  }
0x1c2: {  	[tilespmem:s3+$0x19920] =	vst v1  }
0x1c3: {  	[tilespmem:s3+$0x190B0] =	vst v2  }
0x1c4: {  	[tilespmem:s3+$0x19930] =	vst v1  }
0x1c5: {  	s0 =	sadd.s32 $0x1, s15;
	p0 =	slt.s32 s15, $0x1  }
0x1c6: {  	s2 =	sshrl.u32 @!p0 s0, $0x1F  }
0x1c7: {  	s2 =	sadd.s32 @!p0 s2, s0  }
0x1c8: {  	s5 =	simm.s32 @!p0 $0x3;
	s2 =	sand.u32 @!p0 $0xFFFFFFFE, s2  }
0x1c9: {  	s3 =	simm.s32 @!p0 $0x1;
	s6 =	simm.s32 @!p0 $0x40;
	s2 =	ssub.s32 @!p0 s0, s2  }
0x1ca: {  	_ =	swait.ge @!p0 [sflag:s3], $0x2000;
	s9 =	sshll.u32 @!p0 s2, $0xF;
	s2 =	sshll.u32 @!p0 s2, $0x9  }
0x1cb: {  	[sflag:s3] =	ssyncset.done @!p0 $0x0;
	s9 =	sshra.s32 @!p0 s9, $0x2;
	s2 =	sshra.s32 @!p0 s2, $0x2  }
0x1cc: {  	[sflag:s3] =	ssyncadd.s32 @!p0 $0xFFFFE000;
	s3 =	sadd.s32 @!p0 $0x1A380, s9;
	s2 =	sadd.s32 @!p0 $0x1A180, s2  }
0x1cd: {  	[spmem:s1] =	stream.indirect.scatter.add.f32 @!p0 [tilespmem:s3], [sflag:$0x3], $0x80, s2, s6, $0xb8;
	[tilespmem:$0x1F380] =	vst v63  }
0x1ce: {  	_ =	swait.ge @!p0 [sflag:s5], $0x2000  }
0x1cf: {  	[sflag:s5] =	ssyncset.done @!p0 $0x0  }
0x1d0: {  	s7 =	sadd.s32 $0xFFFFFFFF, s7;
	s3 =	simm.s32 $0x19920;
	[sflag:s5] =	ssyncadd.s32 @!p0 $0xFFFFE000  }
0x1d1: {  	s31 =	sshrl.u32 s15, $0x1F;
	p0 =	sne.s32 s7, $0x0;
	v8 =	vld [tilespmem:s3+$0x10]  }
.Ltmp12:
0x1d2: {  	s2 =	sadd.s32 s31, s15;
	s5 =	simm.s32 $0x190A0;
	v7 =	vld [tilespmem:s3+$0x0];
	(pc) =	sbr.rel @!p0 .LBB2_14-.Ltmp12, $4  }
0x1d3: {  	s2 =	sand.u32 $0xFFFFFFFE, s2;
	v5 =	vld [tilespmem:s5+$0x10]  }
0x1d4: {  	s2 =	ssub.s32 s15, s2;
	v3 =	vld [tilespmem:s3+$0xFFFFFFF0]  }
0x1d5: {  	s11 =	simm.s32 $0x19920;
	s9 =	sshll.u32 s2, $0x7;
	s2 =	sshll.u32 s2, $0xF;
	v4 =	vld [tilespmem:s5+$0xFFFFFFE0]  }
0x1d6: {  	s23 =	smov.u32 s16;
	s26 =	smov.u32 s13;
	v6 =	vld [tilespmem:s5+$0x0];
	s12 =	sshra.s32 s2, $0x2;
	[tilespmem:s9+$0x1A2B0] =	vst v8  }
.LBB2_13:
0x1d7: {  	s7 =	sadd.s32 $0xFFFFFFFF, s7;
	v8 =	vld [tilespmem:s5+$0xFFFFFFF0];
	[tilespmem:s9+$0x1A2A0] =	vst v7;
	s11 =	sadd.s32 $0x40, s11;
	s5 =	sadd.s32 $0x40, s5  }
0x1d8: {  	s2 =	smov.u32 s0;
	p0 =	sne.s32 s7, $0x0;
	v7 =	vld [tilespmem:s3+$0xFFFFFFE0];
	[tilespmem:s9+$0x1A1B0] =	vst v5;
	s3 =	smov.u32 s11  }
0x1d9: {  	s0 =	sadd.s32 $0x1, s0;
	p1 =	slt.s32 s2, $0x1;
	[tilespmem:s9+$0x1A290] =	vst v3  }
0x1da: {  	s6 =	sshrl.u32 @!p1 s0, $0x1F;
	[tilespmem:s9+$0x1A180] =	vst v4  }
0x1db: {  	s10 =	sadd.s32 $0x1A280, s9;
	s6 =	sadd.s32 @!p1 s6, s0;
	[tilespmem:s9+$0x1A1A0] =	vst v6  }
0x1dc: {  	s12 =	sadd.s32 $0x1A380, s12;
	s14 =	simm.s32 @!p1 $0x3;
	s6 =	sand.u32 @!p1 $0xFFFFFFFE, s6;
	[tilespmem:s9+$0x1A190] =	vst v8  }
0x1dd: {  	s15 =	simm.s32 @!p1 $0x1;
	s17 =	simm.s32 @!p1 $0x40;
	s6 =	ssub.s32 @!p1 s0, s6;
	[tilespmem:s9+$0x1A280] =	vst v7  }
0x1de: {  	[tilespmem:s12], [sflag:$0x1] =	stream.indirect.gather [hbm4b:s4+s24], $0x80, s10, s24, $0xb8;
	[tilespmem:$0x1F380] =	vst v63  }
0x1df: {  	s9 =	sshll.u32 @!p1 s6, $0xF;
	s6 =	sshll.u32 @!p1 s6, $0x9;
	_ =	swait.ge @!p1 [sflag:s15], $0x2000  }
0x1e0: {  	s9 =	sshra.s32 @!p1 s9, $0x2;
	s6 =	sshra.s32 @!p1 s6, $0x2;
	[sflag:s15] =	ssyncset.done @!p1 $0x0  }
0x1e1: {  	s9 =	sadd.s32 @!p1 $0x1A380, s9;
	s6 =	sadd.s32 @!p1 $0x1A180, s6;
	[sflag:s15] =	ssyncadd.s32 @!p1 $0xFFFFE000  }
0x1e2: {  	[spmem:s1] =	stream.indirect.scatter.add.f32 @!p1 [tilespmem:s9], [sflag:$0x3], $0x80, s6, s17, $0xb8;
	[tilespmem:$0x1F380] =	vst v63  }
0x1e3: {  	_ =	swait.ge @!p1 [sflag:s14], $0x2000  }
0x1e4: {  	[sflag:s14] =	ssyncset.done @!p1 $0x0  }
0x1e5: {  	[sflag:s14] =	ssyncadd.s32 @!p1 $0xFFFFE000  }
0x1e6: {  	s6 =	sshrl.u32 s2, $0x1F;
	v8 =	vld [tilespmem:s11+$0x10]  }
.Ltmp13:
0x1e7: {  	s6 =	sadd.s32 s6, s2;
	v7 =	vld [tilespmem:s11+$0x0];
	(pc) =	sbr.rel @p0 .LBB2_13-.Ltmp13, $4  }
0x1e8: {  	s6 =	sand.u32 $0xFFFFFFFE, s6;
	v5 =	vld [tilespmem:s5+$0x10]  }
0x1e9: {  	s2 =	ssub.s32 s2, s6;
	v3 =	vld [tilespmem:s11+$0xFFFFFFF0]  }
0x1ea: {  	s9 =	sshll.u32 s2, $0x7;
	s2 =	sshll.u32 s2, $0xF;
	v4 =	vld [tilespmem:s5+$0xFFFFFFE0]  }
0x1eb: {  	s12 =	sshra.s32 s2, $0x2;
	v6 =	vld [tilespmem:s5+$0x0];
	[tilespmem:s9+$0x1A2B0] =	vst v8  }
.LBB2_14:
0x1ec: {  	v8 =	vld [tilespmem:s5+$0xFFFFFFF0];
	[tilespmem:s9+$0x1A2A0] =	vst v7  }
0x1ed: {  	v63 =	vld [tilespmem:s3+$0xFFFFFFE0];
	[tilespmem:s9+$0x1A1B0] =	vst v5  }
0x1ee: {  	[tilespmem:s9+$0x1A290] =	vst v3  }
.Ltmp14:
0x1ef: {  	[tilespmem:s9+$0x1A180] =	vst v4;
	(pc) =	sbr.rel .LBB2_15-.Ltmp14, $4  }
0x1f0: {  	[tilespmem:s9+$0x1A1A0] =	vst v6  }
0x1f1: {  	[tilespmem:s9+$0x1A190] =	vst v8  }
0x1f2: {  	s2 =	sadd.s32 $0x1A280, s9;
	s31 =	sadd.s32 $0x1A380, s12;
	s15 =	smov.u32 s0;
	[tilespmem:s9+$0x1A280] =	vst v63  }
0x1f3: {  	[tilespmem:s31], [sflag:$0x1] =	stream.indirect.gather [hbm4b:s4+s24], $0x80, s2, s24, $0xb8;
	[tilespmem:$0x1F380] =	vst v63  }
.LBB2_17:
0x1f4: {  	_ =	sfence.sel $0x180000  }
0x1f5: {  	[bflag:$0x0] =	sbarrier.arrive $0xFFFF  }
0x1f6: {  	_ =	strace $0x90000047  }
0x1f7: {  	s0 =	stileid.u32;
	[bflag:$0x2] =	sbarrier.arrive $0xFFFF  }
0x1f8: {  	p0 =	sne.s32 s0, $0x0;
	s0 =	rddreg [dreg:$0x3]  }
0x1f9: {  	s0 =	sadd.s32 @!p0 $0x100000, s0  }
0x1fa: {  	[sflag:s0] =	ssyncadd.tile.s32 @!p0 $0x1;
	_ =	shalt  }
.Lfunc_end2:
_tile_overlayer_lowered:
.L_overlay_start_2:
0x1fb: {  	(tag) =	ssettag $0x2  }
0x1fc: {  	s0 =	rddreg [dreg:$0x0];
	s2 =	stileid.u32  }
0x1fd: {  	s1 =	rddreg [dreg:$0x1];
	p0 =	sne.s32 s2, $0x0  }
0x1fe: {  	s3 =	rddreg [dreg:$0x2];
	[bflag:$0x3] =	sbarrier.arrive $0xFFFF;
	s2 =	simm.s32 @!p0 $0x1C01  }
0x1ff: {  	[timem:s3], [sflag:s2] =	dma.local @!p0 [hbm:s0], s1  }
0x200: {  	s0 =	simm.s32 @!p0 $0x1  }
0x201: {  	_ =	swait.ge @!p0 [sflag:s0], s1  }
0x202: {  	s1 =	ssub.s32 @!p0 $0x0, s1;
	[sflag:s0] =	ssyncset.done @!p0 $0x0  }
0x203: {  	[sflag:s0] =	ssyncadd.s32 @!p0 s1  }
0x204: {  	[bflag:$0x3] =	sbarrier.arrive $0xFFFF  }
0x205: {  	_ =	shalt  }

</sc_bundles>
